<compile_context>
chip_gen: v7x
topology: tpu7x:2x2x1
jax: 0.10.2.dev20260603
libtpu: 0.0.44.dev20260713+nightly
codegen_flags: <defaults>
</compile_context>

<pallas_src>
import functools

import jax
import jax.numpy as jnp
from jax import lax
from jax.experimental import pallas as pl
from jax.experimental.pallas import tpu as pltpu
from jax.experimental.pallas import tpu_sc as plsc

N_NODES = 10000
D_FEAT = 128
N_PAIRS = 320000

_info = plsc.get_sparse_core_info()
_NC, _NS, _L = _info.num_cores, _info.num_subcores, _info.num_lanes
_NW = _NC * _NS


def _matvec_body(w_ref, b_ref, h_ref, o_ref):
    w2 = w_ref[0:128, :] + w_ref[128:256, :]
    s = jax.lax.dot_general(
        w2,
        h_ref[...],
        dimension_numbers=(((0,), (1,)), ((), ())),
        preferred_element_type=jnp.float32,
    )
    o_ref[...] = s + b_ref[0]


_matvec = pl.pallas_call(
    _matvec_body,
    out_shape=jax.ShapeDtypeStruct((1, N_NODES), jnp.float32),
)


_mesh = plsc.VectorSubcoreMesh(core_axis_name="c", subcore_axis_name="s")


_QA = 10240
_ROWS_A = _QA // 128
_QB = N_PAIRS - (_NW - 1) * _QA
_ROWS_B = _QB // 128
_OUT_ROWS = N_PAIRS // 128


@functools.partial(
    pl.kernel,
    mesh=_mesh,
    out_type=jax.ShapeDtypeStruct((_OUT_ROWS, 128), jnp.float32),
    compiler_params=pltpu.CompilerParams(needs_layout_passes=False),
    scratch_types=[
        pltpu.VMEM((N_NODES,), jnp.float32),
        pltpu.VMEM((2, _QA), jnp.int32),
        pltpu.VMEM((_ROWS_A, 128), jnp.float32),
        pltpu.SemaphoreType.DMA,
    ],
)
def _sc_pool(s_hbm, idx_hbm, out_hbm, s_v, i01_v, o_v, s_sem):
    wid = lax.axis_index("s") * _NC + lax.axis_index("c")
    s_cp = pltpu.async_copy(s_hbm.at[0], s_v, s_sem)

    def run(nrows, pair_base, row_base):
        pltpu.sync_copy(
            idx_hbm.at[:, pl.ds(pair_base, nrows * 128)],
            i01_v.at[:, pl.ds(0, nrows * 128)],
        )
        s_cp.wait()

        @plsc.parallel_loop(0, nrows, step=1, unroll=2)
        def _(r):
            for cb in range(128 // _L):
                off = r * 128 + cb * _L
                v0 = plsc.load_gather(s_v, [i01_v[0, pl.ds(off, _L)]])
                v1 = plsc.load_gather(s_v, [i01_v[1, pl.ds(off, _L)]])
                o_v[r, pl.ds(cb * _L, _L)] = v0 + v1

        pltpu.sync_copy(
            o_v.at[pl.ds(0, nrows), :],
            out_hbm.at[pl.ds(row_base, nrows), :],
        )

    @pl.when(wid < _NW - 1)
    def _():
        run(_ROWS_A, wid * _QA, wid * _ROWS_A)

    @pl.when(wid == _NW - 1)
    def _():
        run(_ROWS_B, (_NW - 1) * _QA, (_NW - 1) * _ROWS_A)


def kernel(h, forward_indices, W, b):
    s = _matvec(W, b, h)
    return _sc_pool(s, forward_indices).reshape(N_PAIRS, 1)

# --- scband reference (transcript-rebuilt; emitter-appended) ---
"""Pipeline reference for scband-symmetric-pooling-layer-28527172780298 (READ-ONLY COPY).

The authoritative reference and input builder live on the scoring server;
editing this copy changes nothing except your own understanding.
"""

import jax, jax.numpy as jnp
import numpy as np

N_NODES = 10000
D_FEAT = 128
N_PAIRS = 320000
N_ATOMS = 2
N_FEATURE_COLUMNS = D_FEAT * N_ATOMS + 1  # 257
OUT_FEATURES = 1


def setup_inputs(seed: int = 0) -> dict:
    key = jax.random.key(seed)
    k1, k2, k3 = jax.random.split(key, 3)
    h = jax.random.normal(k1, (N_NODES, D_FEAT), dtype=jnp.float32)
    forward_indices = jax.random.randint(k2, (N_ATOMS, N_PAIRS), 0, N_NODES, dtype=jnp.int32)
    W = jax.random.normal(k3, (N_FEATURE_COLUMNS, OUT_FEATURES), dtype=jnp.float32) * 0.05
    b = jnp.zeros((OUT_FEATURES,), dtype=jnp.float32)
    return {"h": h, "forward_indices": forward_indices, "W": W, "b": b}


def reference(h, forward_indices, W, b):
    # _get_pooled_representations: gather node features for each atom slot of the pair
    n_rows = forward_indices.shape[0]
    representations = [jnp.take(h, forward_indices[i], axis=0) for i in range(n_rows)]  # each [P, D]
    h_forward = jnp.concatenate(representations, axis=1)        # [P, 2D]
    h_reverse = jnp.concatenate(representations[::-1], axis=1)  # [P, 2D]
    # include_internal_coordinates = False -> zeros column
    internal_coordinates = jnp.zeros((h_forward.shape[0], 1), dtype=jnp.float32)
    reps = [jnp.concatenate([h_forward, internal_coordinates], axis=1),
            jnp.concatenate([h_reverse, internal_coordinates], axis=1)]  # each [P, 2D+1]
    # self.layers applied to each representation (linear readout)
    forwarded = [r @ W + b for r in reps]
    # pooling_function = torch.add
    return forwarded[0] + forwarded[1]

if __name__ == "__main__":
    import jax
    _d = setup_inputs()
    print(jax.jit(kernel)(*tuple(_d.values())))

</pallas_src>

<mosaic_0001>
#map = affine_map<(d0, d1) -> (0, 0)>
module attributes {stable_mosaic.version = 14 : i64} {
  func.func @_sc_pool(%arg0: i32, %arg1: i32, %arg2: memref<1x10000xf32, #tpu.memory_space<hbm>>, %arg3: memref<2x320000xi32, #tpu.memory_space<hbm>>, %arg4: memref<2500x128xf32, #tpu.memory_space<hbm>>, %arg5: memref<10000xf32, #tpu.memory_space<vmem>>, %arg6: memref<2x10240xi32, #tpu.memory_space<vmem>>, %arg7: memref<80x128xf32, #tpu.memory_space<vmem>>, %arg8: memref<!tpu.dma_semaphore, #tpu.memory_space<semaphore_mem>>) attributes {dimension_semantics = [#tpu.dimension_semantics<core_parallel>, #tpu.dimension_semantics<subcore_parallel>], iteration_bounds = array<i64: 2, 16>, scalar_prefetch = 0 : i64, scratch_operands = 4 : i64, tpu.core_type = #tpu.core_type<sc_vector_subcore>, window_params = [{transform_indices = #map}, {transform_indices = #map}, {transform_indices = #map}]} {
    %mul3A = arith.constant 2 : i32
    %mul3A_0 = arith.muli %arg1, %mul3A : i32
    %add3A = arith.addi %mul3A_0, %arg0 : i32
    %dma_start3A = arith.constant 0 : i32
    %dma_start3A_1 = arith.constant 0 : i32
    %dma_start3A_2 = tpu.memref_slice %arg2[%dma_start3A, %dma_start3A_1] : memref<1x10000xf32, #tpu.memory_space<hbm>> -> memref<1x10000xf32, #tpu.memory_space<hbm>>
    %dma_start3A_3 = tpu.memref_squeeze %dma_start3A_2 : memref<1x10000xf32, #tpu.memory_space<hbm>> -> memref<10000xf32, #tpu.memory_space<hbm>>
    %dma_start3A_4 = arith.constant 0 : i32
    %dma_start3A_5 = tpu.memref_slice %arg2[%dma_start3A, %dma_start3A_4] : memref<1x10000xf32, #tpu.memory_space<hbm>> -> memref<1x10000xf32, #tpu.memory_space<hbm>>
    %dma_start3A_6 = tpu.memref_squeeze %dma_start3A_5 : memref<1x10000xf32, #tpu.memory_space<hbm>> -> memref<10000xf32, #tpu.memory_space<hbm>>
    tpu.enqueue_dma source(%dma_start3A_6 : memref<10000xf32, #tpu.memory_space<hbm>>) target(%arg5 : memref<10000xf32, #tpu.memory_space<vmem>>) target_semaphore(%arg8 : memref<!tpu.dma_semaphore, #tpu.memory_space<semaphore_mem>>)
    %lt3A = arith.constant 31 : i32
    %lt3A_7 = arith.cmpi slt, %add3A, %lt3A : i32
    %convert_element_type3A = arith.extui %lt3A_7 : i1 to i32
    %cond3A = arith.constant 0 : i32
    %cond3A_8 = arith.constant 0 : i32
    %cond3A_9 = arith.cmpi ne, %convert_element_type3A, %cond3A_8 : i32
    scf.if %cond3A_9 {
      %mul3A_15 = arith.constant 10240 : i32
      %mul3A_16 = arith.muli %add3A, %mul3A_15 : i32
      %mul3A_17 = arith.constant 80 : i32
      %mul3A_18 = arith.muli %add3A, %mul3A_17 : i32
      "tpu.region"() ({
        %run_scoped3A = tpu.sem_alloc : memref<!tpu.dma_semaphore, #tpu.memory_space<semaphore_mem>>
        %dma_start3A_26 = arith.constant 0 : i32
        %dma_start3A_27 = arith.constant 0 : i32
        %dma_start3A_28 = tpu.memref_slice %arg6[%dma_start3A_26, %dma_start3A_27] : memref<2x10240xi32, #tpu.memory_space<vmem>> -> memref<2x10240xi32, #tpu.memory_space<vmem>>
        %dma_start3A_29 = arith.constant 0 : i32
        %dma_start3A_30 = tpu.memref_slice %arg3[%dma_start3A_29, %mul3A_16] : memref<2x320000xi32, #tpu.memory_space<hbm>> -> memref<2x10240xi32, #tpu.memory_space<hbm>>
        %dma_start3A_31 = arith.constant 0 : i32
        %dma_start3A_32 = arith.constant 0 : i32
        %dma_start3A_33 = tpu.memref_slice %arg6[%dma_start3A_31, %dma_start3A_32] : memref<2x10240xi32, #tpu.memory_space<vmem>> -> memref<2x10240xi32, #tpu.memory_space<vmem>>
        %dma_start3A_34 = arith.constant 0 : i32
        %dma_start3A_35 = tpu.memref_slice %arg3[%dma_start3A_34, %mul3A_16] : memref<2x320000xi32, #tpu.memory_space<hbm>> -> memref<2x10240xi32, #tpu.memory_space<hbm>>
        tpu.enqueue_dma source(%dma_start3A_35 : memref<2x10240xi32, #tpu.memory_space<hbm>>) target(%dma_start3A_33 : memref<2x10240xi32, #tpu.memory_space<vmem>>) target_semaphore(%run_scoped3A : memref<!tpu.dma_semaphore, #tpu.memory_space<semaphore_mem>>)
        %dma_wait3A_36 = arith.constant 0 : i32
        %dma_wait3A_37 = arith.constant 0 : i32
        %dma_wait3A_38 = tpu.memref_slice %arg6[%dma_wait3A_36, %dma_wait3A_37] : memref<2x10240xi32, #tpu.memory_space<vmem>> -> memref<2x10240xi32, #tpu.memory_space<vmem>>
        %dma_wait3A_39 = arith.constant 0 : i32
        %dma_wait3A_40 = tpu.memref_slice %arg3[%dma_wait3A_39, %mul3A_16] : memref<2x320000xi32, #tpu.memory_space<hbm>> -> memref<2x10240xi32, #tpu.memory_space<hbm>>
        %dma_wait3A_41 = arith.constant 0 : i32
        %dma_wait3A_42 = arith.constant 0 : i32
        %dma_wait3A_43 = tpu.memref_slice %arg6[%dma_wait3A_41, %dma_wait3A_42] : memref<2x10240xi32, #tpu.memory_space<vmem>> -> memref<2x10240xi32, #tpu.memory_space<vmem>>
        %dma_wait3A_44 = arith.constant 0 : i32
        %dma_wait3A_45 = tpu.memref_slice %arg3[%dma_wait3A_44, %mul3A_16] : memref<2x320000xi32, #tpu.memory_space<hbm>> -> memref<2x10240xi32, #tpu.memory_space<hbm>>
        tpu.wait_dma2 semaphore(%run_scoped3A : memref<!tpu.dma_semaphore, #tpu.memory_space<semaphore_mem>>) src(%dma_wait3A_45 : memref<2x10240xi32, #tpu.memory_space<hbm>>) dst(%dma_wait3A_43 : memref<2x10240xi32, #tpu.memory_space<vmem>>)
        tpu.yield
      }) : () -> ()
      %dma_wait3A = arith.constant 0 : i32
      %dma_wait3A_19 = tpu.memref_slice %arg2[%cond3A, %dma_wait3A] : memref<1x10000xf32, #tpu.memory_space<hbm>> -> memref<1x10000xf32, #tpu.memory_space<hbm>>
      %dma_wait3A_20 = tpu.memref_squeeze %dma_wait3A_19 : memref<1x10000xf32, #tpu.memory_space<hbm>> -> memref<10000xf32, #tpu.memory_space<hbm>>
      %dma_wait3A_21 = arith.constant 0 : i32
      %dma_wait3A_22 = tpu.memref_slice %arg2[%cond3A, %dma_wait3A_21] : memref<1x10000xf32, #tpu.memory_space<hbm>> -> memref<1x10000xf32, #tpu.memory_space<hbm>>
      %dma_wait3A_23 = tpu.memref_squeeze %dma_wait3A_22 : memref<1x10000xf32, #tpu.memory_space<hbm>> -> memref<10000xf32, #tpu.memory_space<hbm>>
      tpu.wait_dma2 semaphore(%arg8 : memref<!tpu.dma_semaphore, #tpu.memory_space<semaphore_mem>>) src(%dma_wait3A_23 : memref<10000xf32, #tpu.memory_space<hbm>>) dst(%arg5 : memref<10000xf32, #tpu.memory_space<vmem>>)
      %parallel_loop3A = arith.constant 0 : i32
      %parallel_loop3A_24 = arith.constant 80 : i32
      %parallel_loop3A_25 = arith.constant 1 : i32
      scf.for %parallel_loop3A_26 = %parallel_loop3A to %parallel_loop3A_24 step %parallel_loop3A_25  : i32 {
        %parallel_loop3A_27 = arith.constant 128 : i32
        %parallel_loop3A_28 = arith.muli %parallel_loop3A_26, %parallel_loop3A_27 : i32
        %parallel_loop3A_29 = arith.constant 0 : i32
        %parallel_loop3A_30 = arith.addi %parallel_loop3A_28, %parallel_loop3A_29 : i32
        %parallel_loop3A_31 = arith.constant 0 : i32
        %parallel_loop3A_32 = arith.index_cast %parallel_loop3A_31 : i32 to index
        %parallel_loop3A_33 = arith.index_cast %parallel_loop3A_30 : i32 to index
        %parallel_loop3A_34 = tpu.vector_load %arg6[%parallel_loop3A_32, %parallel_loop3A_33] {strides = array<i32>} : memref<2x10240xi32, #tpu.memory_space<vmem>>, vector<16xi32>,
        %parallel_loop3A_35 = tpu.vector_load_idx %arg5[%parallel_loop3A_34] : memref<10000xf32, #tpu.memory_space<vmem>>[vector<16xi32>], vector<16xf32>,
        %parallel_loop3A_36 = arith.constant 1 : i32
        %parallel_loop3A_37 = arith.index_cast %parallel_loop3A_36 : i32 to index
        %parallel_loop3A_38 = arith.index_cast %parallel_loop3A_30 : i32 to index
        %parallel_loop3A_39 = tpu.vector_load %arg6[%parallel_loop3A_37, %parallel_loop3A_38] {strides = array<i32>} : memref<2x10240xi32, #tpu.memory_space<vmem>>, vector<16xi32>,
        %parallel_loop3A_40 = tpu.vector_load_idx %arg5[%parallel_loop3A_39] : memref<10000xf32, #tpu.memory_space<vmem>>[vector<16xi32>], vector<16xf32>,
        %parallel_loop3A_41 = arith.addf %parallel_loop3A_35, %parallel_loop3A_40 : vector<16xf32>
        %parallel_loop3A_42 = arith.index_cast %parallel_loop3A_26 : i32 to index
        %parallel_loop3A_43 = arith.constant 0 : index
        %parallel_loop3A_44 = tpu.vector_load %arg7[%parallel_loop3A_42, %parallel_loop3A_43] {strides = array<i32>} : memref<80x128xf32, #tpu.memory_space<vmem>>, vector<16xf32>,
        tpu.vector_store %arg7[%parallel_loop3A_42, %parallel_loop3A_43], %parallel_loop3A_41 {strides = array<i32>} : memref<80x128xf32, #tpu.memory_space<vmem>>, vector<16xf32>,
        %parallel_loop3A_45 = arith.constant 128 : i32
        %parallel_loop3A_46 = arith.muli %parallel_loop3A_26, %parallel_loop3A_45 : i32
        %parallel_loop3A_47 = arith.constant 16 : i32
        %parallel_loop3A_48 = arith.addi %parallel_loop3A_46, %parallel_loop3A_47 : i32
        %parallel_loop3A_49 = arith.constant 0 : i32
        %parallel_loop3A_50 = arith.index_cast %parallel_loop3A_49 : i32 to index
        %parallel_loop3A_51 = arith.index_cast %parallel_loop3A_48 : i32 to index
        %parallel_loop3A_52 = tpu.vector_load %arg6[%parallel_loop3A_50, %parallel_loop3A_51] {strides = array<i32>} : memref<2x10240xi32, #tpu.memory_space<vmem>>, vector<16xi32>,
        %parallel_loop3A_53 = tpu.vector_load_idx %arg5[%parallel_loop3A_52] : memref<10000xf32, #tpu.memory_space<vmem>>[vector<16xi32>], vector<16xf32>,
        %parallel_loop3A_54 = arith.constant 1 : i32
        %parallel_loop3A_55 = arith.index_cast %parallel_loop3A_54 : i32 to index
        %parallel_loop3A_56 = arith.index_cast %parallel_loop3A_48 : i32 to index
        %parallel_loop3A_57 = tpu.vector_load %arg6[%parallel_loop3A_55, %parallel_loop3A_56] {strides = array<i32>} : memref<2x10240xi32, #tpu.memory_space<vmem>>, vector<16xi32>,
        %parallel_loop3A_58 = tpu.vector_load_idx %arg5[%parallel_loop3A_57] : memref<10000xf32, #tpu.memory_space<vmem>>[vector<16xi32>], vector<16xf32>,
        %parallel_loop3A_59 = arith.addf %parallel_loop3A_53, %parallel_loop3A_58 : vector<16xf32>
        %parallel_loop3A_60 = arith.index_cast %parallel_loop3A_26 : i32 to index
        %parallel_loop3A_61 = arith.constant 16 : index
        %parallel_loop3A_62 = tpu.vector_load %arg7[%parallel_loop3A_60, %parallel_loop3A_61] {strides = array<i32>} : memref<80x128xf32, #tpu.memory_space<vmem>>, vector<16xf32>,
        tpu.vector_store %arg7[%parallel_loop3A_60, %parallel_loop3A_61], %parallel_loop3A_59 {strides = array<i32>} : memref<80x128xf32, #tpu.memory_space<vmem>>, vector<16xf32>,
        %parallel_loop3A_63 = arith.constant 128 : i32
        %parallel_loop3A_64 = arith.muli %parallel_loop3A_26, %parallel_loop3A_63 : i32
        %parallel_loop3A_65 = arith.constant 32 : i32
        %parallel_loop3A_66 = arith.addi %parallel_loop3A_64, %parallel_loop3A_65 : i32
        %parallel_loop3A_67 = arith.constant 0 : i32
        %parallel_loop3A_68 = arith.index_cast %parallel_loop3A_67 : i32 to index
        %parallel_loop3A_69 = arith.index_cast %parallel_loop3A_66 : i32 to index
        %parallel_loop3A_70 = tpu.vector_load %arg6[%parallel_loop3A_68, %parallel_loop3A_69] {strides = array<i32>} : memref<2x10240xi32, #tpu.memory_space<vmem>>, vector<16xi32>,
        %parallel_loop3A_71 = tpu.vector_load_idx %arg5[%parallel_loop3A_70] : memref<10000xf32, #tpu.memory_space<vmem>>[vector<16xi32>], vector<16xf32>,
        %parallel_loop3A_72 = arith.constant 1 : i32
        %parallel_loop3A_73 = arith.index_cast %parallel_loop3A_72 : i32 to index
        %parallel_loop3A_74 = arith.index_cast %parallel_loop3A_66 : i32 to index
        %parallel_loop3A_75 = tpu.vector_load %arg6[%parallel_loop3A_73, %parallel_loop3A_74] {strides = array<i32>} : memref<2x10240xi32, #tpu.memory_space<vmem>>, vector<16xi32>,
        %parallel_loop3A_76 = tpu.vector_load_idx %arg5[%parallel_loop3A_75] : memref<10000xf32, #tpu.memory_space<vmem>>[vector<16xi32>], vector<16xf32>,
        %parallel_loop3A_77 = arith.addf %parallel_loop3A_71, %parallel_loop3A_76 : vector<16xf32>
        %parallel_loop3A_78 = arith.index_cast %parallel_loop3A_26 : i32 to index
        %parallel_loop3A_79 = arith.constant 32 : index
        %parallel_loop3A_80 = tpu.vector_load %arg7[%parallel_loop3A_78, %parallel_loop3A_79] {strides = array<i32>} : memref<80x128xf32, #tpu.memory_space<vmem>>, vector<16xf32>,
        tpu.vector_store %arg7[%parallel_loop3A_78, %parallel_loop3A_79], %parallel_loop3A_77 {strides = array<i32>} : memref<80x128xf32, #tpu.memory_space<vmem>>, vector<16xf32>,
        %parallel_loop3A_81 = arith.constant 128 : i32
        %parallel_loop3A_82 = arith.muli %parallel_loop3A_26, %parallel_loop3A_81 : i32
        %parallel_loop3A_83 = arith.constant 48 : i32
        %parallel_loop3A_84 = arith.addi %parallel_loop3A_82, %parallel_loop3A_83 : i32
        %parallel_loop3A_85 = arith.constant 0 : i32
        %parallel_loop3A_86 = arith.index_cast %parallel_loop3A_85 : i32 to index
        %parallel_loop3A_87 = arith.index_cast %parallel_loop3A_84 : i32 to index
        %parallel_loop3A_88 = tpu.vector_load %arg6[%parallel_loop3A_86, %parallel_loop3A_87] {strides = array<i32>} : memref<2x10240xi32, #tpu.memory_space<vmem>>, vector<16xi32>,
        %parallel_loop3A_89 = tpu.vector_load_idx %arg5[%parallel_loop3A_88] : memref<10000xf32, #tpu.memory_space<vmem>>[vector<16xi32>], vector<16xf32>,
        %parallel_loop3A_90 = arith.constant 1 : i32
        %parallel_loop3A_91 = arith.index_cast %parallel_loop3A_90 : i32 to index
        %parallel_loop3A_92 = arith.index_cast %parallel_loop3A_84 : i32 to index
        %parallel_loop3A_93 = tpu.vector_load %arg6[%parallel_loop3A_91, %parallel_loop3A_92] {strides = array<i32>} : memref<2x10240xi32, #tpu.memory_space<vmem>>, vector<16xi32>,
        %parallel_loop3A_94 = tpu.vector_load_idx %arg5[%parallel_loop3A_93] : memref<10000xf32, #tpu.memory_space<vmem>>[vector<16xi32>], vector<16xf32>,
        %parallel_loop3A_95 = arith.addf %parallel_loop3A_89, %parallel_loop3A_94 : vector<16xf32>
        %parallel_loop3A_96 = arith.index_cast %parallel_loop3A_26 : i32 to index
        %parallel_loop3A_97 = arith.constant 48 : index
        %parallel_loop3A_98 = tpu.vector_load %arg7[%parallel_loop3A_96, %parallel_loop3A_97] {strides = array<i32>} : memref<80x128xf32, #tpu.memory_space<vmem>>, vector<16xf32>,
        tpu.vector_store %arg7[%parallel_loop3A_96, %parallel_loop3A_97], %parallel_loop3A_95 {strides = array<i32>} : memref<80x128xf32, #tpu.memory_space<vmem>>, vector<16xf32>,
        %parallel_loop3A_99 = arith.constant 128 : i32
        %parallel_loop3A_100 = arith.muli %parallel_loop3A_26, %parallel_loop3A_99 : i32
        %parallel_loop3A_101 = arith.constant 64 : i32
        %parallel_loop3A_102 = arith.addi %parallel_loop3A_100, %parallel_loop3A_101 : i32
        %parallel_loop3A_103 = arith.constant 0 : i32
        %parallel_loop3A_104 = arith.index_cast %parallel_loop3A_103 : i32 to index
        %parallel_loop3A_105 = arith.index_cast %parallel_loop3A_102 : i32 to index
        %parallel_loop3A_106 = tpu.vector_load %arg6[%parallel_loop3A_104, %parallel_loop3A_105] {strides = array<i32>} : memref<2x10240xi32, #tpu.memory_space<vmem>>, vector<16xi32>,
        %parallel_loop3A_107 = tpu.vector_load_idx %arg5[%parallel_loop3A_106] : memref<10000xf32, #tpu.memory_space<vmem>>[vector<16xi32>], vector<16xf32>,
        %parallel_loop3A_108 = arith.constant 1 : i32
        %parallel_loop3A_109 = arith.index_cast %parallel_loop3A_108 : i32 to index
        %parallel_loop3A_110 = arith.index_cast %parallel_loop3A_102 : i32 to index
        %parallel_loop3A_111 = tpu.vector_load %arg6[%parallel_loop3A_109, %parallel_loop3A_110] {strides = array<i32>} : memref<2x10240xi32, #tpu.memory_space<vmem>>, vector<16xi32>,
        %parallel_loop3A_112 = tpu.vector_load_idx %arg5[%parallel_loop3A_111] : memref<10000xf32, #tpu.memory_space<vmem>>[vector<16xi32>], vector<16xf32>,
        %parallel_loop3A_113 = arith.addf %parallel_loop3A_107, %parallel_loop3A_112 : vector<16xf32>
        %parallel_loop3A_114 = arith.index_cast %parallel_loop3A_26 : i32 to index
        %parallel_loop3A_115 = arith.constant 64 : index
        %parallel_loop3A_116 = tpu.vector_load %arg7[%parallel_loop3A_114, %parallel_loop3A_115] {strides = array<i32>} : memref<80x128xf32, #tpu.memory_space<vmem>>, vector<16xf32>,
        tpu.vector_store %arg7[%parallel_loop3A_114, %parallel_loop3A_115], %parallel_loop3A_113 {strides = array<i32>} : memref<80x128xf32, #tpu.memory_space<vmem>>, vector<16xf32>,
        %parallel_loop3A_117 = arith.constant 128 : i32
        %parallel_loop3A_118 = arith.muli %parallel_loop3A_26, %parallel_loop3A_117 : i32
        %parallel_loop3A_119 = arith.constant 80 : i32
        %parallel_loop3A_120 = arith.addi %parallel_loop3A_118, %parallel_loop3A_119 : i32
        %parallel_loop3A_121 = arith.constant 0 : i32
        %parallel_loop3A_122 = arith.index_cast %parallel_loop3A_121 : i32 to index
        %parallel_loop3A_123 = arith.index_cast %parallel_loop3A_120 : i32 to index
        %parallel_loop3A_124 = tpu.vector_load %arg6[%parallel_loop3A_122, %parallel_loop3A_123] {strides = array<i32>} : memref<2x10240xi32, #tpu.memory_space<vmem>>, vector<16xi32>,
        %parallel_loop3A_125 = tpu.vector_load_idx %arg5[%parallel_loop3A_124] : memref<10000xf32, #tpu.memory_space<vmem>>[vector<16xi32>], vector<16xf32>,
        %parallel_loop3A_126 = arith.constant 1 : i32
        %parallel_loop3A_127 = arith.index_cast %parallel_loop3A_126 : i32 to index
        %parallel_loop3A_128 = arith.index_cast %parallel_loop3A_120 : i32 to index
        %parallel_loop3A_129 = tpu.vector_load %arg6[%parallel_loop3A_127, %parallel_loop3A_128] {strides = array<i32>} : memref<2x10240xi32, #tpu.memory_space<vmem>>, vector<16xi32>,
        %parallel_loop3A_130 = tpu.vector_load_idx %arg5[%parallel_loop3A_129] : memref<10000xf32, #tpu.memory_space<vmem>>[vector<16xi32>], vector<16xf32>,
        %parallel_loop3A_131 = arith.addf %parallel_loop3A_125, %parallel_loop3A_130 : vector<16xf32>
        %parallel_loop3A_132 = arith.index_cast %parallel_loop3A_26 : i32 to index
        %parallel_loop3A_133 = arith.constant 80 : index
        %parallel_loop3A_134 = tpu.vector_load %arg7[%parallel_loop3A_132, %parallel_loop3A_133] {strides = array<i32>} : memref<80x128xf32, #tpu.memory_space<vmem>>, vector<16xf32>,
        tpu.vector_store %arg7[%parallel_loop3A_132, %parallel_loop3A_133], %parallel_loop3A_131 {strides = array<i32>} : memref<80x128xf32, #tpu.memory_space<vmem>>, vector<16xf32>,
        %parallel_loop3A_135 = arith.constant 128 : i32
        %parallel_loop3A_136 = arith.muli %parallel_loop3A_26, %parallel_loop3A_135 : i32
        %parallel_loop3A_137 = arith.constant 96 : i32
        %parallel_loop3A_138 = arith.addi %parallel_loop3A_136, %parallel_loop3A_137 : i32
        %parallel_loop3A_139 = arith.constant 0 : i32
        %parallel_loop3A_140 = arith.index_cast %parallel_loop3A_139 : i32 to index
        %parallel_loop3A_141 = arith.index_cast %parallel_loop3A_138 : i32 to index
        %parallel_loop3A_142 = tpu.vector_load %arg6[%parallel_loop3A_140, %parallel_loop3A_141] {strides = array<i32>} : memref<2x10240xi32, #tpu.memory_space<vmem>>, vector<16xi32>,
        %parallel_loop3A_143 = tpu.vector_load_idx %arg5[%parallel_loop3A_142] : memref<10000xf32, #tpu.memory_space<vmem>>[vector<16xi32>], vector<16xf32>,
        %parallel_loop3A_144 = arith.constant 1 : i32
        %parallel_loop3A_145 = arith.index_cast %parallel_loop3A_144 : i32 to index
        %parallel_loop3A_146 = arith.index_cast %parallel_loop3A_138 : i32 to index
        %parallel_loop3A_147 = tpu.vector_load %arg6[%parallel_loop3A_145, %parallel_loop3A_146] {strides = array<i32>} : memref<2x10240xi32, #tpu.memory_space<vmem>>, vector<16xi32>,
        %parallel_loop3A_148 = tpu.vector_load_idx %arg5[%parallel_loop3A_147] : memref<10000xf32, #tpu.memory_space<vmem>>[vector<16xi32>], vector<16xf32>,
        %parallel_loop3A_149 = arith.addf %parallel_loop3A_143, %parallel_loop3A_148 : vector<16xf32>
        %parallel_loop3A_150 = arith.index_cast %parallel_loop3A_26 : i32 to index
        %parallel_loop3A_151 = arith.constant 96 : index
        %parallel_loop3A_152 = tpu.vector_load %arg7[%parallel_loop3A_150, %parallel_loop3A_151] {strides = array<i32>} : memref<80x128xf32, #tpu.memory_space<vmem>>, vector<16xf32>,
        tpu.vector_store %arg7[%parallel_loop3A_150, %parallel_loop3A_151], %parallel_loop3A_149 {strides = array<i32>} : memref<80x128xf32, #tpu.memory_space<vmem>>, vector<16xf32>,
        %parallel_loop3A_153 = arith.constant 128 : i32
        %parallel_loop3A_154 = arith.muli %parallel_loop3A_26, %parallel_loop3A_153 : i32
        %parallel_loop3A_155 = arith.constant 112 : i32
        %parallel_loop3A_156 = arith.addi %parallel_loop3A_154, %parallel_loop3A_155 : i32
        %parallel_loop3A_157 = arith.constant 0 : i32
        %parallel_loop3A_158 = arith.index_cast %parallel_loop3A_157 : i32 to index
        %parallel_loop3A_159 = arith.index_cast %parallel_loop3A_156 : i32 to index
        %parallel_loop3A_160 = tpu.vector_load %arg6[%parallel_loop3A_158, %parallel_loop3A_159] {strides = array<i32>} : memref<2x10240xi32, #tpu.memory_space<vmem>>, vector<16xi32>,
        %parallel_loop3A_161 = tpu.vector_load_idx %arg5[%parallel_loop3A_160] : memref<10000xf32, #tpu.memory_space<vmem>>[vector<16xi32>], vector<16xf32>,
        %parallel_loop3A_162 = arith.constant 1 : i32
        %parallel_loop3A_163 = arith.index_cast %parallel_loop3A_162 : i32 to index
        %parallel_loop3A_164 = arith.index_cast %parallel_loop3A_156 : i32 to index
        %parallel_loop3A_165 = tpu.vector_load %arg6[%parallel_loop3A_163, %parallel_loop3A_164] {strides = array<i32>} : memref<2x10240xi32, #tpu.memory_space<vmem>>, vector<16xi32>,
        %parallel_loop3A_166 = tpu.vector_load_idx %arg5[%parallel_loop3A_165] : memref<10000xf32, #tpu.memory_space<vmem>>[vector<16xi32>], vector<16xf32>,
        %parallel_loop3A_167 = arith.addf %parallel_loop3A_161, %parallel_loop3A_166 : vector<16xf32>
        %parallel_loop3A_168 = arith.index_cast %parallel_loop3A_26 : i32 to index
        %parallel_loop3A_169 = arith.constant 112 : index
        %parallel_loop3A_170 = tpu.vector_load %arg7[%parallel_loop3A_168, %parallel_loop3A_169] {strides = array<i32>} : memref<80x128xf32, #tpu.memory_space<vmem>>, vector<16xf32>,
        tpu.vector_store %arg7[%parallel_loop3A_168, %parallel_loop3A_169], %parallel_loop3A_167 {strides = array<i32>} : memref<80x128xf32, #tpu.memory_space<vmem>>, vector<16xf32>,
      } {sc.loop_unroll_factor = 2 : i64, sc.parallel_access}
      "tpu.region"() ({
        %run_scoped3A = tpu.sem_alloc : memref<!tpu.dma_semaphore, #tpu.memory_space<semaphore_mem>>
        %dma_start3A_26 = arith.constant 0 : i32
        %dma_start3A_27 = arith.constant 0 : i32
        %dma_start3A_28 = tpu.memref_slice %arg7[%dma_start3A_26, %dma_start3A_27] : memref<80x128xf32, #tpu.memory_space<vmem>> -> memref<80x128xf32, #tpu.memory_space<vmem>>
        %dma_start3A_29 = arith.constant 0 : i32
        %dma_start3A_30 = tpu.memref_slice %arg4[%mul3A_18, %dma_start3A_29] : memref<2500x128xf32, #tpu.memory_space<hbm>> -> memref<80x128xf32, #tpu.memory_space<hbm>>
        %dma_start3A_31 = arith.constant 0 : i32
        %dma_start3A_32 = tpu.memref_slice %arg4[%mul3A_18, %dma_start3A_31] : memref<2500x128xf32, #tpu.memory_space<hbm>> -> memref<80x128xf32, #tpu.memory_space<hbm>>
        %dma_start3A_33 = arith.constant 0 : i32
        %dma_start3A_34 = arith.constant 0 : i32
        %dma_start3A_35 = tpu.memref_slice %arg7[%dma_start3A_33, %dma_start3A_34] : memref<80x128xf32, #tpu.memory_space<vmem>> -> memref<80x128xf32, #tpu.memory_space<vmem>>
        tpu.enqueue_dma source(%dma_start3A_35 : memref<80x128xf32, #tpu.memory_space<vmem>>) target(%dma_start3A_32 : memref<80x128xf32, #tpu.memory_space<hbm>>) target_semaphore(%run_scoped3A : memref<!tpu.dma_semaphore, #tpu.memory_space<semaphore_mem>>)
        %dma_wait3A_36 = arith.constant 0 : i32
        %dma_wait3A_37 = arith.constant 0 : i32
        %dma_wait3A_38 = tpu.memref_slice %arg7[%dma_wait3A_36, %dma_wait3A_37] : memref<80x128xf32, #tpu.memory_space<vmem>> -> memref<80x128xf32, #tpu.memory_space<vmem>>
        %dma_wait3A_39 = arith.constant 0 : i32
        %dma_wait3A_40 = tpu.memref_slice %arg4[%mul3A_18, %dma_wait3A_39] : memref<2500x128xf32, #tpu.memory_space<hbm>> -> memref<80x128xf32, #tpu.memory_space<hbm>>
        %dma_wait3A_41 = arith.constant 0 : i32
        %dma_wait3A_42 = tpu.memref_slice %arg4[%mul3A_18, %dma_wait3A_41] : memref<2500x128xf32, #tpu.memory_space<hbm>> -> memref<80x128xf32, #tpu.memory_space<hbm>>
        %dma_wait3A_43 = arith.constant 0 : i32
        %dma_wait3A_44 = arith.constant 0 : i32
        %dma_wait3A_45 = tpu.memref_slice %arg7[%dma_wait3A_43, %dma_wait3A_44] : memref<80x128xf32, #tpu.memory_space<vmem>> -> memref<80x128xf32, #tpu.memory_space<vmem>>
        tpu.wait_dma2 semaphore(%run_scoped3A : memref<!tpu.dma_semaphore, #tpu.memory_space<semaphore_mem>>) src(%dma_wait3A_45 : memref<80x128xf32, #tpu.memory_space<vmem>>) dst(%dma_wait3A_42 : memref<80x128xf32, #tpu.memory_space<hbm>>)
        tpu.yield
      }) : () -> ()
    } else {
    }
    %eq3A = arith.constant 31 : i32
    %eq3A_10 = arith.cmpi eq, %add3A, %eq3A : i32
    %convert_element_type3A_11 = arith.extui %eq3A_10 : i1 to i32
    %cond3A_12 = arith.constant 0 : i32
    %cond3A_13 = arith.constant 0 : i32
    %cond3A_14 = arith.cmpi ne, %convert_element_type3A_11, %cond3A_13 : i32
    scf.if %cond3A_14 {
      "tpu.region"() ({
        %run_scoped3A = tpu.sem_alloc : memref<!tpu.dma_semaphore, #tpu.memory_space<semaphore_mem>>
        %dma_start3A_22 = arith.constant 0 : i32
        %dma_start3A_23 = arith.constant 0 : i32
        %dma_start3A_24 = tpu.memref_slice %arg6[%dma_start3A_22, %dma_start3A_23] : memref<2x10240xi32, #tpu.memory_space<vmem>> -> memref<2x2560xi32, #tpu.memory_space<vmem>>
        %dma_start3A_25 = arith.constant 0 : i32
        %dma_start3A_26 = arith.constant 317440 : i32
        %dma_start3A_27 = tpu.memref_slice %arg3[%dma_start3A_25, %dma_start3A_26] : memref<2x320000xi32, #tpu.memory_space<hbm>> -> memref<2x2560xi32, #tpu.memory_space<hbm>>
        %dma_start3A_28 = arith.constant 0 : i32
        %dma_start3A_29 = arith.constant 0 : i32
        %dma_start3A_30 = tpu.memref_slice %arg6[%dma_start3A_28, %dma_start3A_29] : memref<2x10240xi32, #tpu.memory_space<vmem>> -> memref<2x2560xi32, #tpu.memory_space<vmem>>
        %dma_start3A_31 = arith.constant 0 : i32
        %dma_start3A_32 = arith.constant 317440 : i32
        %dma_start3A_33 = tpu.memref_slice %arg3[%dma_start3A_31, %dma_start3A_32] : memref<2x320000xi32, #tpu.memory_space<hbm>> -> memref<2x2560xi32, #tpu.memory_space<hbm>>
        tpu.enqueue_dma source(%dma_start3A_33 : memref<2x2560xi32, #tpu.memory_space<hbm>>) target(%dma_start3A_30 : memref<2x2560xi32, #tpu.memory_space<vmem>>) target_semaphore(%run_scoped3A : memref<!tpu.dma_semaphore, #tpu.memory_space<semaphore_mem>>)
        %dma_wait3A_34 = arith.constant 0 : i32
        %dma_wait3A_35 = arith.constant 0 : i32
        %dma_wait3A_36 = tpu.memref_slice %arg6[%dma_wait3A_34, %dma_wait3A_35] : memref<2x10240xi32, #tpu.memory_space<vmem>> -> memref<2x2560xi32, #tpu.memory_space<vmem>>
        %dma_wait3A_37 = arith.constant 0 : i32
        %dma_wait3A_38 = arith.constant 317440 : i32
        %dma_wait3A_39 = tpu.memref_slice %arg3[%dma_wait3A_37, %dma_wait3A_38] : memref<2x320000xi32, #tpu.memory_space<hbm>> -> memref<2x2560xi32, #tpu.memory_space<hbm>>
        %dma_wait3A_40 = arith.constant 0 : i32
        %dma_wait3A_41 = arith.constant 0 : i32
        %dma_wait3A_42 = tpu.memref_slice %arg6[%dma_wait3A_40, %dma_wait3A_41] : memref<2x10240xi32, #tpu.memory_space<vmem>> -> memref<2x2560xi32, #tpu.memory_space<vmem>>
        %dma_wait3A_43 = arith.constant 0 : i32
        %dma_wait3A_44 = arith.constant 317440 : i32
        %dma_wait3A_45 = tpu.memref_slice %arg3[%dma_wait3A_43, %dma_wait3A_44] : memref<2x320000xi32, #tpu.memory_space<hbm>> -> memref<2x2560xi32, #tpu.memory_space<hbm>>
        tpu.wait_dma2 semaphore(%run_scoped3A : memref<!tpu.dma_semaphore, #tpu.memory_space<semaphore_mem>>) src(%dma_wait3A_45 : memref<2x2560xi32, #tpu.memory_space<hbm>>) dst(%dma_wait3A_42 : memref<2x2560xi32, #tpu.memory_space<vmem>>)
        tpu.yield
      }) : () -> ()
      %dma_wait3A = arith.constant 0 : i32
      %dma_wait3A_15 = tpu.memref_slice %arg2[%cond3A_12, %dma_wait3A] : memref<1x10000xf32, #tpu.memory_space<hbm>> -> memref<1x10000xf32, #tpu.memory_space<hbm>>
      %dma_wait3A_16 = tpu.memref_squeeze %dma_wait3A_15 : memref<1x10000xf32, #tpu.memory_space<hbm>> -> memref<10000xf32, #tpu.memory_space<hbm>>
      %dma_wait3A_17 = arith.constant 0 : i32
      %dma_wait3A_18 = tpu.memref_slice %arg2[%cond3A_12, %dma_wait3A_17] : memref<1x10000xf32, #tpu.memory_space<hbm>> -> memref<1x10000xf32, #tpu.memory_space<hbm>>
      %dma_wait3A_19 = tpu.memref_squeeze %dma_wait3A_18 : memref<1x10000xf32, #tpu.memory_space<hbm>> -> memref<10000xf32, #tpu.memory_space<hbm>>
      tpu.wait_dma2 semaphore(%arg8 : memref<!tpu.dma_semaphore, #tpu.memory_space<semaphore_mem>>) src(%dma_wait3A_19 : memref<10000xf32, #tpu.memory_space<hbm>>) dst(%arg5 : memref<10000xf32, #tpu.memory_space<vmem>>)
      %parallel_loop3A = arith.constant 0 : i32
      %parallel_loop3A_20 = arith.constant 20 : i32
      %parallel_loop3A_21 = arith.constant 1 : i32
      scf.for %parallel_loop3A_22 = %parallel_loop3A to %parallel_loop3A_20 step %parallel_loop3A_21  : i32 {
        %parallel_loop3A_23 = arith.constant 128 : i32
        %parallel_loop3A_24 = arith.muli %parallel_loop3A_22, %parallel_loop3A_23 : i32
        %parallel_loop3A_25 = arith.constant 0 : i32
        %parallel_loop3A_26 = arith.addi %parallel_loop3A_24, %parallel_loop3A_25 : i32
        %parallel_loop3A_27 = arith.constant 0 : i32
        %parallel_loop3A_28 = arith.index_cast %parallel_loop3A_27 : i32 to index
        %parallel_loop3A_29 = arith.index_cast %parallel_loop3A_26 : i32 to index
        %parallel_loop3A_30 = tpu.vector_load %arg6[%parallel_loop3A_28, %parallel_loop3A_29] {strides = array<i32>} : memref<2x10240xi32, #tpu.memory_space<vmem>>, vector<16xi32>,
        %parallel_loop3A_31 = tpu.vector_load_idx %arg5[%parallel_loop3A_30] : memref<10000xf32, #tpu.memory_space<vmem>>[vector<16xi32>], vector<16xf32>,
        %parallel_loop3A_32 = arith.constant 1 : i32
        %parallel_loop3A_33 = arith.index_cast %parallel_loop3A_32 : i32 to index
        %parallel_loop3A_34 = arith.index_cast %parallel_loop3A_26 : i32 to index
        %parallel_loop3A_35 = tpu.vector_load %arg6[%parallel_loop3A_33, %parallel_loop3A_34] {strides = array<i32>} : memref<2x10240xi32, #tpu.memory_space<vmem>>, vector<16xi32>,
        %parallel_loop3A_36 = tpu.vector_load_idx %arg5[%parallel_loop3A_35] : memref<10000xf32, #tpu.memory_space<vmem>>[vector<16xi32>], vector<16xf32>,
        %parallel_loop3A_37 = arith.addf %parallel_loop3A_31, %parallel_loop3A_36 : vector<16xf32>
        %parallel_loop3A_38 = arith.index_cast %parallel_loop3A_22 : i32 to index
        %parallel_loop3A_39 = arith.constant 0 : index
        %parallel_loop3A_40 = tpu.vector_load %arg7[%parallel_loop3A_38, %parallel_loop3A_39] {strides = array<i32>} : memref<80x128xf32, #tpu.memory_space<vmem>>, vector<16xf32>,
        tpu.vector_store %arg7[%parallel_loop3A_38, %parallel_loop3A_39], %parallel_loop3A_37 {strides = array<i32>} : memref<80x128xf32, #tpu.memory_space<vmem>>, vector<16xf32>,
        %parallel_loop3A_41 = arith.constant 128 : i32
        %parallel_loop3A_42 = arith.muli %parallel_loop3A_22, %parallel_loop3A_41 : i32
        %parallel_loop3A_43 = arith.constant 16 : i32
        %parallel_loop3A_44 = arith.addi %parallel_loop3A_42, %parallel_loop3A_43 : i32
        %parallel_loop3A_45 = arith.constant 0 : i32
        %parallel_loop3A_46 = arith.index_cast %parallel_loop3A_45 : i32 to index
        %parallel_loop3A_47 = arith.index_cast %parallel_loop3A_44 : i32 to index
        %parallel_loop3A_48 = tpu.vector_load %arg6[%parallel_loop3A_46, %parallel_loop3A_47] {strides = array<i32>} : memref<2x10240xi32, #tpu.memory_space<vmem>>, vector<16xi32>,
        %parallel_loop3A_49 = tpu.vector_load_idx %arg5[%parallel_loop3A_48] : memref<10000xf32, #tpu.memory_space<vmem>>[vector<16xi32>], vector<16xf32>,
        %parallel_loop3A_50 = arith.constant 1 : i32
        %parallel_loop3A_51 = arith.index_cast %parallel_loop3A_50 : i32 to index
        %parallel_loop3A_52 = arith.index_cast %parallel_loop3A_44 : i32 to index
        %parallel_loop3A_53 = tpu.vector_load %arg6[%parallel_loop3A_51, %parallel_loop3A_52] {strides = array<i32>} : memref<2x10240xi32, #tpu.memory_space<vmem>>, vector<16xi32>,
        %parallel_loop3A_54 = tpu.vector_load_idx %arg5[%parallel_loop3A_53] : memref<10000xf32, #tpu.memory_space<vmem>>[vector<16xi32>], vector<16xf32>,
        %parallel_loop3A_55 = arith.addf %parallel_loop3A_49, %parallel_loop3A_54 : vector<16xf32>
        %parallel_loop3A_56 = arith.index_cast %parallel_loop3A_22 : i32 to index
        %parallel_loop3A_57 = arith.constant 16 : index
        %parallel_loop3A_58 = tpu.vector_load %arg7[%parallel_loop3A_56, %parallel_loop3A_57] {strides = array<i32>} : memref<80x128xf32, #tpu.memory_space<vmem>>, vector<16xf32>,
        tpu.vector_store %arg7[%parallel_loop3A_56, %parallel_loop3A_57], %parallel_loop3A_55 {strides = array<i32>} : memref<80x128xf32, #tpu.memory_space<vmem>>, vector<16xf32>,
        %parallel_loop3A_59 = arith.constant 128 : i32
        %parallel_loop3A_60 = arith.muli %parallel_loop3A_22, %parallel_loop3A_59 : i32
        %parallel_loop3A_61 = arith.constant 32 : i32
        %parallel_loop3A_62 = arith.addi %parallel_loop3A_60, %parallel_loop3A_61 : i32
        %parallel_loop3A_63 = arith.constant 0 : i32
        %parallel_loop3A_64 = arith.index_cast %parallel_loop3A_63 : i32 to index
        %parallel_loop3A_65 = arith.index_cast %parallel_loop3A_62 : i32 to index
        %parallel_loop3A_66 = tpu.vector_load %arg6[%parallel_loop3A_64, %parallel_loop3A_65] {strides = array<i32>} : memref<2x10240xi32, #tpu.memory_space<vmem>>, vector<16xi32>,
        %parallel_loop3A_67 = tpu.vector_load_idx %arg5[%parallel_loop3A_66] : memref<10000xf32, #tpu.memory_space<vmem>>[vector<16xi32>], vector<16xf32>,
        %parallel_loop3A_68 = arith.constant 1 : i32
        %parallel_loop3A_69 = arith.index_cast %parallel_loop3A_68 : i32 to index
        %parallel_loop3A_70 = arith.index_cast %parallel_loop3A_62 : i32 to index
        %parallel_loop3A_71 = tpu.vector_load %arg6[%parallel_loop3A_69, %parallel_loop3A_70] {strides = array<i32>} : memref<2x10240xi32, #tpu.memory_space<vmem>>, vector<16xi32>,
        %parallel_loop3A_72 = tpu.vector_load_idx %arg5[%parallel_loop3A_71] : memref<10000xf32, #tpu.memory_space<vmem>>[vector<16xi32>], vector<16xf32>,
        %parallel_loop3A_73 = arith.addf %parallel_loop3A_67, %parallel_loop3A_72 : vector<16xf32>
        %parallel_loop3A_74 = arith.index_cast %parallel_loop3A_22 : i32 to index
        %parallel_loop3A_75 = arith.constant 32 : index
        %parallel_loop3A_76 = tpu.vector_load %arg7[%parallel_loop3A_74, %parallel_loop3A_75] {strides = array<i32>} : memref<80x128xf32, #tpu.memory_space<vmem>>, vector<16xf32>,
        tpu.vector_store %arg7[%parallel_loop3A_74, %parallel_loop3A_75], %parallel_loop3A_73 {strides = array<i32>} : memref<80x128xf32, #tpu.memory_space<vmem>>, vector<16xf32>,
        %parallel_loop3A_77 = arith.constant 128 : i32
        %parallel_loop3A_78 = arith.muli %parallel_loop3A_22, %parallel_loop3A_77 : i32
        %parallel_loop3A_79 = arith.constant 48 : i32
        %parallel_loop3A_80 = arith.addi %parallel_loop3A_78, %parallel_loop3A_79 : i32
        %parallel_loop3A_81 = arith.constant 0 : i32
        %parallel_loop3A_82 = arith.index_cast %parallel_loop3A_81 : i32 to index
        %parallel_loop3A_83 = arith.index_cast %parallel_loop3A_80 : i32 to index
        %parallel_loop3A_84 = tpu.vector_load %arg6[%parallel_loop3A_82, %parallel_loop3A_83] {strides = array<i32>} : memref<2x10240xi32, #tpu.memory_space<vmem>>, vector<16xi32>,
        %parallel_loop3A_85 = tpu.vector_load_idx %arg5[%parallel_loop3A_84] : memref<10000xf32, #tpu.memory_space<vmem>>[vector<16xi32>], vector<16xf32>,
        %parallel_loop3A_86 = arith.constant 1 : i32
        %parallel_loop3A_87 = arith.index_cast %parallel_loop3A_86 : i32 to index
        %parallel_loop3A_88 = arith.index_cast %parallel_loop3A_80 : i32 to index
        %parallel_loop3A_89 = tpu.vector_load %arg6[%parallel_loop3A_87, %parallel_loop3A_88] {strides = array<i32>} : memref<2x10240xi32, #tpu.memory_space<vmem>>, vector<16xi32>,
        %parallel_loop3A_90 = tpu.vector_load_idx %arg5[%parallel_loop3A_89] : memref<10000xf32, #tpu.memory_space<vmem>>[vector<16xi32>], vector<16xf32>,
        %parallel_loop3A_91 = arith.addf %parallel_loop3A_85, %parallel_loop3A_90 : vector<16xf32>
        %parallel_loop3A_92 = arith.index_cast %parallel_loop3A_22 : i32 to index
        %parallel_loop3A_93 = arith.constant 48 : index
        %parallel_loop3A_94 = tpu.vector_load %arg7[%parallel_loop3A_92, %parallel_loop3A_93] {strides = array<i32>} : memref<80x128xf32, #tpu.memory_space<vmem>>, vector<16xf32>,
        tpu.vector_store %arg7[%parallel_loop3A_92, %parallel_loop3A_93], %parallel_loop3A_91 {strides = array<i32>} : memref<80x128xf32, #tpu.memory_space<vmem>>, vector<16xf32>,
        %parallel_loop3A_95 = arith.constant 128 : i32
        %parallel_loop3A_96 = arith.muli %parallel_loop3A_22, %parallel_loop3A_95 : i32
        %parallel_loop3A_97 = arith.constant 64 : i32
        %parallel_loop3A_98 = arith.addi %parallel_loop3A_96, %parallel_loop3A_97 : i32
        %parallel_loop3A_99 = arith.constant 0 : i32
        %parallel_loop3A_100 = arith.index_cast %parallel_loop3A_99 : i32 to index
        %parallel_loop3A_101 = arith.index_cast %parallel_loop3A_98 : i32 to index
        %parallel_loop3A_102 = tpu.vector_load %arg6[%parallel_loop3A_100, %parallel_loop3A_101] {strides = array<i32>} : memref<2x10240xi32, #tpu.memory_space<vmem>>, vector<16xi32>,
        %parallel_loop3A_103 = tpu.vector_load_idx %arg5[%parallel_loop3A_102] : memref<10000xf32, #tpu.memory_space<vmem>>[vector<16xi32>], vector<16xf32>,
        %parallel_loop3A_104 = arith.constant 1 : i32
        %parallel_loop3A_105 = arith.index_cast %parallel_loop3A_104 : i32 to index
        %parallel_loop3A_106 = arith.index_cast %parallel_loop3A_98 : i32 to index
        %parallel_loop3A_107 = tpu.vector_load %arg6[%parallel_loop3A_105, %parallel_loop3A_106] {strides = array<i32>} : memref<2x10240xi32, #tpu.memory_space<vmem>>, vector<16xi32>,
        %parallel_loop3A_108 = tpu.vector_load_idx %arg5[%parallel_loop3A_107] : memref<10000xf32, #tpu.memory_space<vmem>>[vector<16xi32>], vector<16xf32>,
        %parallel_loop3A_109 = arith.addf %parallel_loop3A_103, %parallel_loop3A_108 : vector<16xf32>
        %parallel_loop3A_110 = arith.index_cast %parallel_loop3A_22 : i32 to index
        %parallel_loop3A_111 = arith.constant 64 : index
        %parallel_loop3A_112 = tpu.vector_load %arg7[%parallel_loop3A_110, %parallel_loop3A_111] {strides = array<i32>} : memref<80x128xf32, #tpu.memory_space<vmem>>, vector<16xf32>,
        tpu.vector_store %arg7[%parallel_loop3A_110, %parallel_loop3A_111], %parallel_loop3A_109 {strides = array<i32>} : memref<80x128xf32, #tpu.memory_space<vmem>>, vector<16xf32>,
        %parallel_loop3A_113 = arith.constant 128 : i32
        %parallel_loop3A_114 = arith.muli %parallel_loop3A_22, %parallel_loop3A_113 : i32
        %parallel_loop3A_115 = arith.constant 80 : i32
        %parallel_loop3A_116 = arith.addi %parallel_loop3A_114, %parallel_loop3A_115 : i32
        %parallel_loop3A_117 = arith.constant 0 : i32
        %parallel_loop3A_118 = arith.index_cast %parallel_loop3A_117 : i32 to index
        %parallel_loop3A_119 = arith.index_cast %parallel_loop3A_116 : i32 to index
        %parallel_loop3A_120 = tpu.vector_load %arg6[%parallel_loop3A_118, %parallel_loop3A_119] {strides = array<i32>} : memref<2x10240xi32, #tpu.memory_space<vmem>>, vector<16xi32>,
        %parallel_loop3A_121 = tpu.vector_load_idx %arg5[%parallel_loop3A_120] : memref<10000xf32, #tpu.memory_space<vmem>>[vector<16xi32>], vector<16xf32>,
        %parallel_loop3A_122 = arith.constant 1 : i32
        %parallel_loop3A_123 = arith.index_cast %parallel_loop3A_122 : i32 to index
        %parallel_loop3A_124 = arith.index_cast %parallel_loop3A_116 : i32 to index
        %parallel_loop3A_125 = tpu.vector_load %arg6[%parallel_loop3A_123, %parallel_loop3A_124] {strides = array<i32>} : memref<2x10240xi32, #tpu.memory_space<vmem>>, vector<16xi32>,
        %parallel_loop3A_126 = tpu.vector_load_idx %arg5[%parallel_loop3A_125] : memref<10000xf32, #tpu.memory_space<vmem>>[vector<16xi32>], vector<16xf32>,
        %parallel_loop3A_127 = arith.addf %parallel_loop3A_121, %parallel_loop3A_126 : vector<16xf32>
        %parallel_loop3A_128 = arith.index_cast %parallel_loop3A_22 : i32 to index
        %parallel_loop3A_129 = arith.constant 80 : index
        %parallel_loop3A_130 = tpu.vector_load %arg7[%parallel_loop3A_128, %parallel_loop3A_129] {strides = array<i32>} : memref<80x128xf32, #tpu.memory_space<vmem>>, vector<16xf32>,
        tpu.vector_store %arg7[%parallel_loop3A_128, %parallel_loop3A_129], %parallel_loop3A_127 {strides = array<i32>} : memref<80x128xf32, #tpu.memory_space<vmem>>, vector<16xf32>,
        %parallel_loop3A_131 = arith.constant 128 : i32
        %parallel_loop3A_132 = arith.muli %parallel_loop3A_22, %parallel_loop3A_131 : i32
        %parallel_loop3A_133 = arith.constant 96 : i32
        %parallel_loop3A_134 = arith.addi %parallel_loop3A_132, %parallel_loop3A_133 : i32
        %parallel_loop3A_135 = arith.constant 0 : i32
        %parallel_loop3A_136 = arith.index_cast %parallel_loop3A_135 : i32 to index
        %parallel_loop3A_137 = arith.index_cast %parallel_loop3A_134 : i32 to index
        %parallel_loop3A_138 = tpu.vector_load %arg6[%parallel_loop3A_136, %parallel_loop3A_137] {strides = array<i32>} : memref<2x10240xi32, #tpu.memory_space<vmem>>, vector<16xi32>,
        %parallel_loop3A_139 = tpu.vector_load_idx %arg5[%parallel_loop3A_138] : memref<10000xf32, #tpu.memory_space<vmem>>[vector<16xi32>], vector<16xf32>,
        %parallel_loop3A_140 = arith.constant 1 : i32
        %parallel_loop3A_141 = arith.index_cast %parallel_loop3A_140 : i32 to index
        %parallel_loop3A_142 = arith.index_cast %parallel_loop3A_134 : i32 to index
        %parallel_loop3A_143 = tpu.vector_load %arg6[%parallel_loop3A_141, %parallel_loop3A_142] {strides = array<i32>} : memref<2x10240xi32, #tpu.memory_space<vmem>>, vector<16xi32>,
        %parallel_loop3A_144 = tpu.vector_load_idx %arg5[%parallel_loop3A_143] : memref<10000xf32, #tpu.memory_space<vmem>>[vector<16xi32>], vector<16xf32>,
        %parallel_loop3A_145 = arith.addf %parallel_loop3A_139, %parallel_loop3A_144 : vector<16xf32>
        %parallel_loop3A_146 = arith.index_cast %parallel_loop3A_22 : i32 to index
        %parallel_loop3A_147 = arith.constant 96 : index
        %parallel_loop3A_148 = tpu.vector_load %arg7[%parallel_loop3A_146, %parallel_loop3A_147] {strides = array<i32>} : memref<80x128xf32, #tpu.memory_space<vmem>>, vector<16xf32>,
        tpu.vector_store %arg7[%parallel_loop3A_146, %parallel_loop3A_147], %parallel_loop3A_145 {strides = array<i32>} : memref<80x128xf32, #tpu.memory_space<vmem>>, vector<16xf32>,
        %parallel_loop3A_149 = arith.constant 128 : i32
        %parallel_loop3A_150 = arith.muli %parallel_loop3A_22, %parallel_loop3A_149 : i32
        %parallel_loop3A_151 = arith.constant 112 : i32
        %parallel_loop3A_152 = arith.addi %parallel_loop3A_150, %parallel_loop3A_151 : i32
        %parallel_loop3A_153 = arith.constant 0 : i32
        %parallel_loop3A_154 = arith.index_cast %parallel_loop3A_153 : i32 to index
        %parallel_loop3A_155 = arith.index_cast %parallel_loop3A_152 : i32 to index
        %parallel_loop3A_156 = tpu.vector_load %arg6[%parallel_loop3A_154, %parallel_loop3A_155] {strides = array<i32>} : memref<2x10240xi32, #tpu.memory_space<vmem>>, vector<16xi32>,
        %parallel_loop3A_157 = tpu.vector_load_idx %arg5[%parallel_loop3A_156] : memref<10000xf32, #tpu.memory_space<vmem>>[vector<16xi32>], vector<16xf32>,
        %parallel_loop3A_158 = arith.constant 1 : i32
        %parallel_loop3A_159 = arith.index_cast %parallel_loop3A_158 : i32 to index
        %parallel_loop3A_160 = arith.index_cast %parallel_loop3A_152 : i32 to index
        %parallel_loop3A_161 = tpu.vector_load %arg6[%parallel_loop3A_159, %parallel_loop3A_160] {strides = array<i32>} : memref<2x10240xi32, #tpu.memory_space<vmem>>, vector<16xi32>,
        %parallel_loop3A_162 = tpu.vector_load_idx %arg5[%parallel_loop3A_161] : memref<10000xf32, #tpu.memory_space<vmem>>[vector<16xi32>], vector<16xf32>,
        %parallel_loop3A_163 = arith.addf %parallel_loop3A_157, %parallel_loop3A_162 : vector<16xf32>
        %parallel_loop3A_164 = arith.index_cast %parallel_loop3A_22 : i32 to index
        %parallel_loop3A_165 = arith.constant 112 : index
        %parallel_loop3A_166 = tpu.vector_load %arg7[%parallel_loop3A_164, %parallel_loop3A_165] {strides = array<i32>} : memref<80x128xf32, #tpu.memory_space<vmem>>, vector<16xf32>,
        tpu.vector_store %arg7[%parallel_loop3A_164, %parallel_loop3A_165], %parallel_loop3A_163 {strides = array<i32>} : memref<80x128xf32, #tpu.memory_space<vmem>>, vector<16xf32>,
      } {sc.loop_unroll_factor = 2 : i64, sc.parallel_access}
      "tpu.region"() ({
        %run_scoped3A = tpu.sem_alloc : memref<!tpu.dma_semaphore, #tpu.memory_space<semaphore_mem>>
        %dma_start3A_22 = arith.constant 0 : i32
        %dma_start3A_23 = arith.constant 0 : i32
        %dma_start3A_24 = tpu.memref_slice %arg7[%dma_start3A_22, %dma_start3A_23] : memref<80x128xf32, #tpu.memory_space<vmem>> -> memref<20x128xf32, #tpu.memory_space<vmem>>
        %dma_start3A_25 = arith.constant 2480 : i32
        %dma_start3A_26 = arith.constant 0 : i32
        %dma_start3A_27 = tpu.memref_slice %arg4[%dma_start3A_25, %dma_start3A_26] : memref<2500x128xf32, #tpu.memory_space<hbm>> -> memref<20x128xf32, #tpu.memory_space<hbm>>
        %dma_start3A_28 = arith.constant 2480 : i32
        %dma_start3A_29 = arith.constant 0 : i32
        %dma_start3A_30 = tpu.memref_slice %arg4[%dma_start3A_28, %dma_start3A_29] : memref<2500x128xf32, #tpu.memory_space<hbm>> -> memref<20x128xf32, #tpu.memory_space<hbm>>
        %dma_start3A_31 = arith.constant 0 : i32
        %dma_start3A_32 = arith.constant 0 : i32
        %dma_start3A_33 = tpu.memref_slice %arg7[%dma_start3A_31, %dma_start3A_32] : memref<80x128xf32, #tpu.memory_space<vmem>> -> memref<20x128xf32, #tpu.memory_space<vmem>>
        tpu.enqueue_dma source(%dma_start3A_33 : memref<20x128xf32, #tpu.memory_space<vmem>>) target(%dma_start3A_30 : memref<20x128xf32, #tpu.memory_space<hbm>>) target_semaphore(%run_scoped3A : memref<!tpu.dma_semaphore, #tpu.memory_space<semaphore_mem>>)
        %dma_wait3A_34 = arith.constant 0 : i32
        %dma_wait3A_35 = arith.constant 0 : i32
        %dma_wait3A_36 = tpu.memref_slice %arg7[%dma_wait3A_34, %dma_wait3A_35] : memref<80x128xf32, #tpu.memory_space<vmem>> -> memref<20x128xf32, #tpu.memory_space<vmem>>
        %dma_wait3A_37 = arith.constant 2480 : i32
        %dma_wait3A_38 = arith.constant 0 : i32
        %dma_wait3A_39 = tpu.memref_slice %arg4[%dma_wait3A_37, %dma_wait3A_38] : memref<2500x128xf32, #tpu.memory_space<hbm>> -> memref<20x128xf32, #tpu.memory_space<hbm>>
        %dma_wait3A_40 = arith.constant 2480 : i32
        %dma_wait3A_41 = arith.constant 0 : i32
        %dma_wait3A_42 = tpu.memref_slice %arg4[%dma_wait3A_40, %dma_wait3A_41] : memref<2500x128xf32, #tpu.memory_space<hbm>> -> memref<20x128xf32, #tpu.memory_space<hbm>>
        %dma_wait3A_43 = arith.constant 0 : i32
        %dma_wait3A_44 = arith.constant 0 : i32
        %dma_wait3A_45 = tpu.memref_slice %arg7[%dma_wait3A_43, %dma_wait3A_44] : memref<80x128xf32, #tpu.memory_space<vmem>> -> memref<20x128xf32, #tpu.memory_space<vmem>>
        tpu.wait_dma2 semaphore(%run_scoped3A : memref<!tpu.dma_semaphore, #tpu.memory_space<semaphore_mem>>) src(%dma_wait3A_45 : memref<20x128xf32, #tpu.memory_space<vmem>>) dst(%dma_wait3A_42 : memref<20x128xf32, #tpu.memory_space<hbm>>)
        tpu.yield
      }) : () -> ()
    } else {
    }
    return
  }
}

module attributes {stable_mosaic.version = 14 : i64} {
  func.func @_matvec_body(%arg0: memref<257x1xf32, #tpu.memory_space<vmem>>, %arg1: memref<1xf32, #tpu.memory_space<vmem>>, %arg2: memref<10000x128xf32, #tpu.memory_space<vmem>>, %arg3: memref<1x10000xf32, #tpu.memory_space<vmem>>) attributes {dimension_semantics = [], scalar_prefetch = 0 : i64, scratch_operands = 0 : i64, tpu.core_type = #tpu.core_type<tc>} {
    %get3A = arith.constant 0 : index
    %get3A_0 = arith.constant 0 : index
    %get3A_1 = vector.load %arg0[%get3A, %get3A_0] : memref<257x1xf32, #tpu.memory_space<vmem>>, vector<128x1xf32>
    %get3A_2 = arith.constant 128 : index
    %get3A_3 = arith.constant 0 : index
    %get3A_4 = vector.load %arg0[%get3A_2, %get3A_3] : memref<257x1xf32, #tpu.memory_space<vmem>>, vector<128x1xf32>
    %add3A = arith.addf %get3A_1, %get3A_4 : vector<128x1xf32>
    %get3A_5 = arith.constant 0 : index
    %get3A_6 = arith.constant 0 : index
    %get3A_7 = vector.load %arg2[%get3A_5, %get3A_6] : memref<10000x128xf32, #tpu.memory_space<vmem>>, vector<10000x128xf32>
    %dot_general3A = arith.constant dense<0.000000e+00> : vector<1x10000xf32>
    %dot_general3A_8 = tpu.matmul %add3A, %get3A_7, %dot_general3A {dimension_numbers = #tpu.dot_dimension_numbers<[0], [1], [1], [0], [0, 1, 1, 0], [], []>, transpose_lhs_hint = false} : vector<128x1xf32>, vector<10000x128xf32>, vector<1x10000xf32> -> vector<1x10000xf32>
    %get3A_9 = arith.constant 0 : index
    %get3A_10 = vector.load %arg1[%get3A_9] : memref<1xf32, #tpu.memory_space<vmem>>, vector<1xf32>
    %get3A_11 = vector.extract %get3A_10[0] : f32 from vector<1xf32>
    %add3A_12 = vector.broadcast %get3A_11 : f32 to vector<1x10000xf32>
    %add3A_13 = arith.addf %dot_general3A_8, %add3A_12 : vector<1x10000xf32>
    %swap3A = arith.constant 0 : index
    %swap3A_14 = arith.constant 0 : index
    %swap3A_15 = vector.load %arg3[%swap3A, %swap3A_14] : memref<1x10000xf32, #tpu.memory_space<vmem>>, vector<1x10000xf32>
    tpu.vector_store %arg3[%swap3A, %swap3A_14], %add3A_13 {strides = array<i32>} : memref<1x10000xf32, #tpu.memory_space<vmem>>, vector<1x10000xf32>,
    return
  }
}

</mosaic_0001>

<sc_bundles>
// kernel: kernel.4.cloned.1.call-start
scs
__scs_entry_jumppad:
0x0: {  	(pc) =	sbr.rel $0x88, $3  }
0x1: {  	(tag) =	ssettag $0x0;
	lr =	simm.s32 $0x1  }
0x2: {  	[smem:$0x3F9D] =	sst lr;
	_ =	strace $0xD0000000  }
0x3: {  	_ = 	snop  }
0x4: {  	_ = 	snop  }
0x5: {  	_ = 	snop  }
0x6: {  	_ = 	snop  }
0x7: {  	_ = 	snop  }
__scs_overlays_trampoline_lowered:
0x8: {  	[smem:$0x3FAC] =	sst s0  }
0x9: {  	[smem:$0x3FAD] =	sst s1  }
0xa: {  	[smem:$0x3FAE] =	sst s2  }
0xb: {  	[smem:$0x3FAF] =	sst s3  }
0xc: {  	[smem:$0x3FB0] =	sst s4  }
0xd: {  	[smem:$0x3FB1] =	sst s5  }
0xe: {  	[smem:$0x3FB2] =	sst s6  }
0xf: {  	[smem:$0x3FB3] =	sst s7  }
0x10: {  	[smem:$0x3FB4] =	sst s8  }
0x11: {  	[smem:$0x3FB5] =	sst s9;
	s0 =	simm.s32 @!p0 $0x0  }
0x12: {  	s1 =	sld [smem:$0x3F9B];
	s0 =	simm.s32 @p0 $0x1  }
0x13: {  	[smem:$0x3FB6] =	sst s0;
	s0 =	simm.s32 @!p1 $0x0  }
0x14: {  	s2 =	sld [smem:$0x3F9A];
	s0 =	simm.s32 @p1 $0x1  }
0x15: {  	[smem:$0x3FB7] =	sst s0;
	s0 =	simm.s32 @!p2 $0x0  }
0x16: {  	s3 =	sld [smem:$0x3FDB];
	s0 =	simm.s32 @p2 $0x1  }
0x17: {  	s4 =	simm.s32 $0x1BF5;
	[smem:$0x3FB9] =	sst s0  }
0x18: {  	s0 =	sld [smem:$0x3F9C];
	_ =	swait.ge [sflag:s4], $0x0  }
0x19: {  	s7 =	sld [smem:$0x3F9D]  }
0x1a: {  	s8 =	sadd.s32 $0xFFFFE003, lr  }
0x1b: {  	s9 =	sadd.s32 $0xFFFFFEF7, lr;
	s5 =	simm.s32 $0xFFFFFFFF;
	p2 =	slt.u32 s8, $0xFFFFF086  }
0x1c: {  	p1 =	slt.u32 s9, $0xF7A;
	s5 =	simm.s32 @!p2 $0x0  }
0x1d: {  	s5 =	simm.s32 @p1 $0x1;
	p0 =	seq.s32 s7, s2  }
0x1e: {  	s7 =	smul.u32 @!p0 $0xF7A, s2;
	p2 =	seq.s32 @!p0 s5, $0x0  }
0x1f: {  	s9 =	smul.u32 $0xF7A, s1;
	s8 =	simm.s32 @!p0 $0x1BF5;
	p2 =	por !p2, p0  }
0x20: {  	[sflag:s8] =	ssyncset.s32 @!p0 $0xFFFFF086;
	s6 =	sadd.s32 @!p0 s3, s7;
	s7 =	simm.s32 @!p0 $0x108  }
0x21: {  	s3 =	sadd.s32 s3, s9;
	s6 =	sadd.s32 @!p0 $0x88, s6;
	s7 =	simm.s32 @p2 $0x1082  }
0x22: {  	[simem:s7], [sflag:s8] =	dma.local @!p0 [hbm:s6], $0xF7A  }
0x23: {  	s9 =	sor.u32 $0xD0000000, s2;
	s6 =	simm.s32 $0x108;
	_ =	swait.ge @!p0 [sflag:s8], $0x0  }
0x24: {  	s3 =	sadd.s32 $0x88, s3;
	s6 =	simm.s32 @!p1 $0x1082;
	[sflag:s4] =	ssyncset.s32 $0xFFFFF086  }
0x25: {  	[simem:s6], [sflag:s4] =	dma.local [hbm:s3], $0xF7A  }
0x26: {  	[smem:$0x3F9D] =	sst s1;
	(tag) =	ssettag s2;
	_ =	strace s9  }
0x27: {  	s1 =	sld [smem:$0x3FAD]  }
0x28: {  	s2 =	sld [smem:$0x3FAE]  }
0x29: {  	s4 =	sld [smem:$0x3FB0]  }
0x2a: {  	p0 =	seq.s32 s5, $0x0;
	s5 =	sld [smem:$0x3FB1]  }
0x2b: {  	s6 =	sld [smem:$0x3FB2]  }
0x2c: {  	s7 =	sld [smem:$0x3FB3]  }
0x2d: {  	s3 =	simm.s32 $0x108;
	s8 =	sld [smem:$0x3FB4]  }
0x2e: {  	s3 =	simm.s32 @!p0 $0x1082;
	s9 =	sld [smem:$0x3FB5]  }
0x2f: {  	lr =	sadd.s32 s0, s3;
	s0 =	sld [smem:$0x3FAC]  }
0x30: {  	s3 =	sld [smem:$0x3FAF]  }
0x31: {  	[smem:$0x3FB8] =	sst s10  }
0x32: {  	s10 =	sld [smem:$0x3FB6];
	_ =	sdelay $0x3  }
0x33: {  	p0 =	seq.s32 s10, $0x1;
	s10 =	sld [smem:$0x3FB8];
	_ =	sdelay $0x3  }
0x34: {  	[smem:$0x3FB8] =	sst s10  }
0x35: {  	s10 =	sld [smem:$0x3FB7];
	_ =	sdelay $0x3  }
0x36: {  	p1 =	seq.s32 s10, $0x1;
	s10 =	sld [smem:$0x3FB8];
	_ =	sdelay $0x3  }
0x37: {  	[smem:$0x3FB8] =	sst s10  }
0x38: {  	s10 =	sld [smem:$0x3FB9]  }
0x39: {  	_ = 	snop;
	(pc) =	sbr.ind lr, $3  }
0x3a: {  	_ = 	snop  }
0x3b: {  	_ = 	snop  }
0x3c: {  	p2 =	seq.s32 s10, $0x1;
	s10 =	sld [smem:$0x3FB8]  }
0x3d: {  	_ =	shalt  }
0x3e: {  	_ =	shalt  }
0x3f: {  	_ =	shalt  }
0x40: {  	_ =	shalt  }
0x41: {  	_ =	shalt  }
0x42: {  	_ =	shalt  }
0x43: {  	_ =	shalt  }
0x44: {  	_ =	shalt  }
0x45: {  	_ =	shalt  }
0x46: {  	_ =	shalt  }
0x47: {  	_ =	shalt  }
0x48: {  	_ =	shalt  }
0x49: {  	_ =	shalt  }
0x4a: {  	_ =	shalt  }
0x4b: {  	_ =	shalt  }
0x4c: {  	_ =	shalt  }
0x4d: {  	_ =	shalt  }
0x4e: {  	_ =	shalt  }
0x4f: {  	_ =	shalt  }
0x50: {  	_ =	shalt  }
0x51: {  	_ =	shalt  }
0x52: {  	_ =	shalt  }
0x53: {  	_ =	shalt  }
0x54: {  	_ =	shalt  }
0x55: {  	_ =	shalt  }
0x56: {  	_ =	shalt  }
0x57: {  	_ =	shalt  }
0x58: {  	_ =	shalt  }
0x59: {  	_ =	shalt  }
0x5a: {  	_ =	shalt  }
0x5b: {  	_ =	shalt  }
0x5c: {  	_ =	shalt  }
0x5d: {  	_ =	shalt  }
0x5e: {  	_ =	shalt  }
0x5f: {  	_ =	shalt  }
0x60: {  	_ =	shalt  }
0x61: {  	_ =	shalt  }
0x62: {  	_ =	shalt  }
0x63: {  	_ =	shalt  }
0x64: {  	_ =	shalt  }
0x65: {  	_ =	shalt  }
0x66: {  	_ =	shalt  }
0x67: {  	_ =	shalt  }
0x68: {  	_ =	shalt  }
0x69: {  	_ =	shalt  }
0x6a: {  	_ =	shalt  }
0x6b: {  	_ =	shalt  }
0x6c: {  	_ =	shalt  }
0x6d: {  	_ =	shalt  }
0x6e: {  	_ =	shalt  }
0x6f: {  	_ =	shalt  }
0x70: {  	_ =	shalt  }
0x71: {  	_ =	shalt  }
0x72: {  	_ =	shalt  }
0x73: {  	_ =	shalt  }
0x74: {  	_ =	shalt  }
0x75: {  	_ =	shalt  }
0x76: {  	_ =	shalt  }
0x77: {  	_ =	shalt  }
0x78: {  	_ =	shalt  }
0x79: {  	_ =	shalt  }
0x7a: {  	_ =	shalt  }
0x7b: {  	_ =	shalt  }
0x7c: {  	_ =	shalt  }
0x7d: {  	_ =	shalt  }
0x7e: {  	_ =	shalt  }
0x7f: {  	_ =	shalt  }
0x80: {  	_ =	shalt  }
0x81: {  	_ =	shalt  }
0x82: {  	_ =	shalt  }
0x83: {  	_ =	shalt  }
0x84: {  	_ =	shalt  }
0x85: {  	_ =	shalt  }
0x86: {  	_ =	shalt  }
0x87: {  	_ =	shalt  }
.Lfunc_end0:
.L_simem_size_0:
called_computation_lowered:
.L_overlay_start_0:
0x88: {  	s2 =	sld [smem:$0x3FD9]  }
0x89: {  	s3 =	sld [smem:$0x3FFE];
	_ =	sdelay $0x1  }
0x8a: {  	s1 =	srdreg.scid  }
0x8b: {  	s0 =	sand.u32 $0x1, s1  }
0x8c: {  	s17 =	sshll.u32 s0, $0xA;
	s2 =	sadd.s32 s3, s2  }
0x8d: {  	s2 =	sadd.s32 s2, s17  }
0x8e: {  	[smem:$0x3FC4] =	sst s2  }
0x8f: {  	_ = 	snop  }
0x90: {  	s2 =	sld [smem:$0x3FC8]  }
0x91: {  	s18 =	sld [smem:$0x3FD0];
	(tm) =	ssettm $0x1  }
0x92: {  	s4 =	sld [smem:$0x3FFB];
	_ =	sdelay $0x3  }
0x93: {  	_ =	strace s4  }
0x94: {  	s4 =	sld [smem:$0x3FFC];
	_ =	sdelay $0x3  }
0x95: {  	_ =	strace s4  }
0x96: {  	s4 =	sld [smem:$0x3FFD];
	_ =	sdelay $0x3  }
0x97: {  	_ =	strace s4  }
0x98: {  	_ =	strace $0x8FFFFFFF  }
0x99: {  	s19 =	sld [smem:$0x3FDB];
	_ =	sdelay $0x1  }
0x9a: {  	s5 =	simm.s32 $_scs_section_size  }
0x9b: {  	s6 =	simm.s32 $_size__tile_overlayer_lowered;
	s7 =	simm.s32 $_tile_overlayer_lowered  }
0x9c: {  	s22 =	simm.s32 $0x1BFF;
	s21 =	sshll.u32 s7, $0x1;
	s4 =	sadd.s32 s5, s19  }
0x9d: {  	s8 =	simm.s32 $0x0;
	s20 =	sshll.u32 s6, $0x1;
	s6 =	sadd.s32 s21, s4  }
0x9e: {  	[timem:s8], [sflag:s22] =	dma.local [hbm:s6], s20  }
0x9f: {  	_ =	swait.ge [sflag:s22], s20  }
0xa0: {  	s5 =	ssub.s32 $0x0, s20;
	[sflag:s22] =	ssyncset.done $0x0  }
0xa1: {  	[sflag:s22] =	ssyncadd.s32 s5;
	_ =	sdelay $0x1  }
0xa2: {  	s23 =	simm.s32 $0x1B8B  }
0xa3: {  	_ =	swait.ge [sflag:s23], $0x1  }
0xa4: {  	[sflag:s23] =	ssyncset.done $0x0  }
0xa5: {  	s25 =	simm.s32 $0x1B8E;
	s24 =	sld [smem:$0x3FFE];
	[sflag:s23] =	ssyncadd.s32 $0xFFFFFFFF  }
0xa6: {  	s26 =	simm.s32 $execute0_lowered;
	[smem:$0x3FD2] =	sst s25  }
0xa7: {  	s6 =	sshll.u32 s26, $0x1;
	_ =	strace $0x80000046;
	[dreg:$0x1] =	wrdreg $0xFFFFFFFF  }
0xa8: {  	s28 =	simm.s32 $_size_execute0_lowered;
	s4 =	sadd.s32 s4, s6;
	[dreg:$0x0] =	wrdreg $0x0  }
0xa9: {  	s6 =	sshll.u32 s28, $0x1;
	[dreg:$0x2] =	wrdreg s4  }
0xaa: {  	[dreg:$0x3] =	wrdreg s6  }
0xab: {  	[dreg:$0x4] =	wrdreg $0xC0  }
0xac: {  	_ =	task [dreg:s8], $0x5FFFF  }
0xad: {  	[dreg:$0x1] =	wrdreg $0xFFFFFFFF  }
0xae: {  	[dreg:$0x0] =	wrdreg $0x60  }
0xaf: {  	[dreg:$0x2] =	wrdreg s18  }
0xb0: {  	[dreg:$0x3] =	wrdreg s2  }
0xb1: {  	[dreg:$0x4] =	wrdreg s24  }
0xb2: {  	[dreg:$0x5] =	wrdreg $0x9  }
0xb3: {  	_ =	task.clear_ibuf [dreg:s8], $0x6FFFF;
	_ =	strace $0x90000046  }
0xb4: {  	s29 =	simm.s32 $0x9;
	_ =	strace $0x80000048  }
0xb5: {  	_ =	swait.ge [sflag:s29], $0x1  }
0xb6: {  	[sflag:s29] =	ssyncadd.s32 $0xFFFFFFFF  }
0xb7: {  	_ =	strace $0x90000048  }
0xb8: {  	_ =	sfence  }
0xb9: {  	s30 =	sld [smem:$0x0];
	_ =	sdelay $0x2  }
0xba: {  	s31 =	sshll.u32 s1, $0xD;
	s1 =	sshrl.u32 s1, $0x2  }
0xbb: {  	s3 =	sand.u32 $0x4000, s31;
	s1 =	sadd.s32 s1, s30  }
0xbc: {  	s0 =	sor.u32 s3, s0;
	s1 =	sshll.u32 s1, $0x11  }
0xbd: {  	s0 =	sor.u32 s1, s0  }
0xbe: {  	s0 =	sadd.s32 $0x8F2B, s0  }
0xbf: {  	[sflag:s0] =	ssyncadd.remote.s32 $0x1  }
0xc0: {  	_ =	sfence.sel $0xFFFF  }
0xc1: {  	[dreg:$0x0] =	wrdreg $0xFFFFFFFF;
	(pc) =	sbr.abs _section_cstart, $3  }
0xc2: {  	[dreg:$0x1] =	wrdreg $0xFFFFFFFF  }
0xc3: {  	_ =	task.clear_ibuf [dreg:s8], $0x2FFFF;
	_ =	strace $0x9FFFFFFF  }
0xc4: {  	(tm) =	ssettm $0x7FFFFFFF  }
0xc5: {  	_ =	shalt  }
tec
execute0_lowered:
.L_overlay_start_1:
0x0: {  	(tag) =	ssettag $0x1  }
0x1: {  	s1 =	rddreg [dreg:$0x0]  }
0x2: {  	s2 =	srdreg.scid;
	s6 =	rddreg [dreg:$0x1]  }
0x3: {  	s0 =	stileid.u32;
	s7 =	rddreg [dreg:$0x2];
	s3 =	simm.s32 $0x0  }
0x4: {  	s11 =	simm.s32 $0x1;
	s4 =	sand.u32 $0x1, s2;
	s31 =	sshll.u32 s0, $0x1  }
0x5: {  	s12 =	simm.s32 $0x7780;
	s2 =	rddreg [dreg:$0x3];
	s9 =	sor.u32 s4, s31  }
0x6: {  	s13 =	simm.s32 $0x0;
	[smem:$0x7FF] =	sst s3;
	s5 =	smul.u32 $0x500, s9  }
.Ltmp0:
0x7: {  	s4 =	ssub.s32 $0x2, s4;
	_ =	strace $0x80000047;
	(pc) =	sbr.rel .LBB2_1-.Ltmp0, $4  }
0x8: {  	s8 =	smul.u32 $0xA00, s9;
	s10 =	sshrl.u32 s4, $0x1;
	p0 =	seq.s32 s9, $0x1F  }
0x9: {  	s9 =	simm.s32 $0x2780;
	s10 =	ssub.s32 s4, s10;
	s5 =	sadd.s32 s5, s7  }
0xa: {  	s4 =	sadd.s32 s6, s8;
	s6 =	sadd.s32 $0x13600, s6;
	s7 =	sadd.s32 $0xA300, s7  }
0xb: {  	s8 =	smax.u32 s10, $0x1;
	s10 =	simm.s32 $0x2;
	s5 =	sadd.s32 $0x800, s5  }
.LBB2_7:
0xc: {  	_ =	sdelay $0x3  }
0xd: {  	v4 =	vld.idx.msk [tilespmem:v4+s3+$0x0], $0xffff  }
0xe: {  	v5 =	vld.idx.msk [tilespmem:v5+s3+$0x0], $0xffff  }
0xf: {  	v6 =	vld.idx.msk [tilespmem:v6+s3+$0x0], $0xffff  }
0x10: {  	v7 =	vld.idx.msk [tilespmem:v7+s3+$0x0], $0xffff;
	_ =	sdelay $0x2  }
0x11: {  	v4 =	vadd.f32 v5, v4;
	_ =	sdelay $0x1  }
0x12: {  	v40 =	vadd.f32 v7, v6;
	[tilespmem:s18+$0x30] =	vst v4  }
0x13: {  	v41 =	vld [tilespmem:s17+$0x50]  }
0x14: {  	[tilespmem:s18+$0xFFFFFFB0] =	vst v40;
	v42 =	vld [tilespmem:s17+$0xD0]  }
0x15: {  	v4 =	vld [tilespmem:s17+$0xFFFFFF50]  }
0x16: {  	v43 =	vld [tilespmem:s17+$0xFFFFFFD0];
	_ =	sdelay $0x4  }
0x17: {  	v5 =	vld.idx.msk [tilespmem:v41+s3+$0x0], $0xffff  }
0x18: {  	v6 =	vld.idx.msk [tilespmem:v42+s3+$0x0], $0xffff  }
0x19: {  	v4 =	vld.idx.msk [tilespmem:v4+s3+$0x0], $0xffff  }
0x1a: {  	v7 =	vld.idx.msk [tilespmem:v43+s3+$0x0], $0xffff;
	_ =	sdelay $0x2  }
0x1b: {  	v5 =	vadd.f32 v6, v5;
	_ =	sdelay $0x1  }
0x1c: {  	v4 =	vadd.f32 v7, v4;
	[tilespmem:s18+$0x40] =	vst v5  }
0x1d: {  	v5 =	vld [tilespmem:s17+$0x60]  }
0x1e: {  	[tilespmem:s18+$0xFFFFFFC0] =	vst v4;
	v44 =	vld [tilespmem:s17+$0xE0]  }
0x1f: {  	v4 =	vld [tilespmem:s17+$0xFFFFFF60]  }
0x20: {  	v45 =	vld [tilespmem:s17+$0xFFFFFFE0];
	_ =	sdelay $0x4  }
0x21: {  	v5 =	vld.idx.msk [tilespmem:v5+s3+$0x0], $0xffff  }
0x22: {  	v6 =	vld.idx.msk [tilespmem:v44+s3+$0x0], $0xffff  }
0x23: {  	v4 =	vld.idx.msk [tilespmem:v4+s3+$0x0], $0xffff  }
0x24: {  	v7 =	vld.idx.msk [tilespmem:v45+s3+$0x0], $0xffff;
	_ =	sdelay $0x2  }
0x25: {  	v5 =	vadd.f32 v6, v5  }
0x26: {  	s20 =	sadd.s32 $0x200, s19;
	v8 =	vld [tilespmem:s16+$0xFFFFFFF0]  }
0x27: {  	v46 =	vld [tilespmem:s16+$0xFFFFFF70];
	s21 =	sadd.s32 $0xFFFFFFE0, s20;
	v4 =	vadd.f32 v7, v4;
	[tilespmem:s18+$0x50] =	vst v5  }
0x28: {  	s21 =	sor.u32 $0xE0, s21;
	v5 =	vld [tilespmem:s17+$0x70]  }
0x29: {  	[tilespmem:s18+$0xFFFFFFD0] =	vst v4;
	v47 =	vld [tilespmem:s21+$0x2780]  }
0x2a: {  	v4 =	vld [tilespmem:s17+$0xFFFFFF70]  }
0x2b: {  	v9 =	vld [tilespmem:s17+$0xFFFFFFF0];
	_ =	sdelay $0x2  }
0x2c: {  	v8 =	vld.idx.msk [tilespmem:v8+s3+$0x0], $0xffff  }
0x2d: {  	v6 =	vld.idx.msk [tilespmem:v46+s3+$0x0], $0xffff  }
0x2e: {  	v5 =	vld.idx.msk [tilespmem:v5+s3+$0x0], $0xffff  }
0x2f: {  	v7 =	vld.idx.msk [tilespmem:v47+s3+$0x0], $0xffff  }
0x30: {  	v2 =	vadd.f32 v3, v2;
	v48 =	vld.idx.msk [tilespmem:v4+s3+$0x0], $0xffff  }
0x31: {  	v49 =	vld.idx.msk [tilespmem:v9+s3+$0x0], $0xffff  }
0x32: {  	[tilespmem:s15+$0x60] =	vst v2;
	v50 =	vadd.f32 v8, v6  }
0x33: {  	s30 =	sor.u32 $0xF0, s19;
	v51 =	vld [tilespmem:s16+$0x80]  }
0x34: {  	v52 =	vld [tilespmem:s30+$0x2780];
	[tilespmem:s15+$0xFFFFFFE0] =	vst v50;
	v53 =	vadd.f32 v7, v5  }
0x35: {  	v54 =	vld [tilespmem:s16+$0xFFFFFF80]  }
0x36: {  	v55 =	vld [tilespmem:s16+$0x0];
	v56 =	vadd.f32 v49, v48;
	[tilespmem:s18+$0x60] =	vst v53  }
0x37: {  	s31 =	sor.u32 $0xF0, s20;
	v57 =	vld [tilespmem:s17+$0x80]  }
0x38: {  	[tilespmem:s18+$0xFFFFFFE0] =	vst v56;
	v58 =	vld [tilespmem:s31+$0x2780]  }
0x39: {  	v2 =	vld [tilespmem:s17+$0xFFFFFF80]  }
0x3a: {  	v59 =	vld [tilespmem:s17+$0x0]  }
0x3b: {  	v6 =	vld.idx.msk [tilespmem:v51+s3+$0x0], $0xffff  }
0x3c: {  	v8 =	vld.idx.msk [tilespmem:v52+s3+$0x0], $0xffff  }
0x3d: {  	v5 =	vld.idx.msk [tilespmem:v54+s3+$0x0], $0xffff  }
0x3e: {  	v7 =	vld.idx.msk [tilespmem:v55+s3+$0x0], $0xffff  }
0x3f: {  	v3 =	vld.idx.msk [tilespmem:v57+s3+$0x0], $0xffff  }
0x40: {  	v4 =	vld.idx.msk [tilespmem:v58+s3+$0x0], $0xffff  }
0x41: {  	v2 =	vld.idx.msk [tilespmem:v2+s3+$0x0], $0xffff  }
0x42: {  	v9 =	vld.idx.msk [tilespmem:v59+s3+$0x0], $0xffff  }
0x43: {  	v0 =	vadd.f32 v1, v0  }
0x44: {  	v60 =	vadd.f32 v8, v6  }
0x45: {  	[tilespmem:s14+$0xFFFFFFF0] =	vst v0;
	v61 =	vadd.f32 v7, v5  }
0x46: {  	[tilespmem:s15+$0x70] =	vst v60;
	v62 =	vadd.f32 v4, v3  }
0x47: {  	[tilespmem:s15+$0xFFFFFFF0] =	vst v61;
	v63 =	vadd.f32 v9, v2  }
0x48: {  	[tilespmem:s18+$0x70] =	vst v62  }
0x49: {  	[tilespmem:s18+$0xFFFFFFF0] =	vst v63  }
0x4a: {  	[hbm4b:s7+s3] =	stream.linear.scatter [tilespmem:s12], [sflag:$0x2], $0xA00, $0x38;
	[tilespmem:$0x9F80] =	vst v63  }
0x4b: {  	_ =	swait.ge [sflag:s10], $0xA00  }
0x4c: {  	[sflag:s10] =	ssyncset.done $0x0  }
0x4d: {  	[sflag:s10] =	ssyncadd.s32 $0xFFFFF600  }
.LBB2_8:
0x4e: {  	s13 =	sadd.s32 $0x1, s13  }
0x4f: {  	p1 =	sne.s32 s13, s8  }
.Ltmp1:
0x50: {  	_ = 	snop;
	(pc) =	sbr.rel @!p1 .LBB2_9-.Ltmp1, $1  }
0x51: {  	_ =	sdelay $0x3  }
.LBB2_1:
.Ltmp2:
0x52: {  	(pc) =	sbr.rel @!p0 .LBB2_2-.Ltmp2, $2  }
0x53: {  	_ =	sdelay $0x2  }
0x54: {  	[tilespmem:s3], [sflag:$0x1] =	stream.linear.gather [hbm4b:s1+s3], $0x2780, $0x38;
	[tilespmem:$0x9F80] =	vst v63  }
0x55: {  	[tilespmem:s9], [sflag:$0x2] =	stream.linear.gather [hbm4b:s6+s3], $0x1400, $0x38;
	[tilespmem:$0x9F80] =	vst v63  }
0x56: {  	_ =	swait.ge [sflag:s10], $0x1400  }
0x57: {  	[sflag:s10] =	ssyncset.done $0x0  }
0x58: {  	[sflag:s10] =	ssyncadd.s32 $0xFFFFEC00  }
0x59: {  	_ =	swait.ge [sflag:s11], $0x2780  }
0x5a: {  	[sflag:s11] =	ssyncset.done $0x0  }
0x5b: {  	s19 =	simm.s32 $0x2870;
	[sflag:s11] =	ssyncadd.s32 $0xFFFFD880  }
0x5c: {  	v0 =	vld [tilespmem:s19+$0x10]  }
0x5d: {  	v1 =	vld [tilespmem:s19+$0x90];
	_ =	sdelay $0x4  }
0x5e: {  	v2 =	vld [tilespmem:s19+$0xFFFFFF10]  }
0x5f: {  	v3 =	vld [tilespmem:s19+$0xFFFFFF90]  }
0x60: {  	v0 =	vld.idx.msk [tilespmem:v0+s3+$0x0], $0xffff  }
0x61: {  	v1 =	vld.idx.msk [tilespmem:v1+s3+$0x0], $0xffff;
	_ =	sdelay $0x4  }
0x62: {  	v2 =	vld.idx.msk [tilespmem:v2+s3+$0x0], $0xffff;
	v0 =	vadd.f32 v1, v0  }
0x63: {  	s14 =	simm.s32 $0x7800;
	v3 =	vld.idx.msk [tilespmem:v3+s3+$0x0], $0xffff  }
0x64: {  	[tilespmem:s14+$0x0] =	vst v0  }
0x65: {  	v0 =	vld [tilespmem:s19+$0x20]  }
0x66: {  	v1 =	vld [tilespmem:s19+$0xA0];
	_ =	sdelay $0x1  }
0x67: {  	v2 =	vadd.f32 v3, v2;
	_ =	sdelay $0x1  }
0x68: {  	[tilespmem:s14+$0xFFFFFF80] =	vst v2  }
0x69: {  	v2 =	vld [tilespmem:s19+$0xFFFFFF20]  }
0x6a: {  	v3 =	vld [tilespmem:s19+$0xFFFFFFA0]  }
0x6b: {  	v0 =	vld.idx.msk [tilespmem:v0+s3+$0x0], $0xffff  }
0x6c: {  	v1 =	vld.idx.msk [tilespmem:v1+s3+$0x0], $0xffff;
	_ =	sdelay $0x4  }
0x6d: {  	v2 =	vld.idx.msk [tilespmem:v2+s3+$0x0], $0xffff;
	v0 =	vadd.f32 v1, v0  }
0x6e: {  	v3 =	vld.idx.msk [tilespmem:v3+s3+$0x0], $0xffff  }
0x6f: {  	[tilespmem:s14+$0x10] =	vst v0  }
0x70: {  	v0 =	vld [tilespmem:s19+$0x30]  }
0x71: {  	v1 =	vld [tilespmem:s19+$0xB0];
	_ =	sdelay $0x1  }
0x72: {  	v2 =	vadd.f32 v3, v2;
	_ =	sdelay $0x1  }
0x73: {  	[tilespmem:s14+$0xFFFFFF90] =	vst v2  }
0x74: {  	v2 =	vld [tilespmem:s19+$0xFFFFFF30]  }
0x75: {  	v3 =	vld [tilespmem:s19+$0xFFFFFFB0]  }
0x76: {  	v0 =	vld.idx.msk [tilespmem:v0+s3+$0x0], $0xffff  }
0x77: {  	v1 =	vld.idx.msk [tilespmem:v1+s3+$0x0], $0xffff;
	_ =	sdelay $0x4  }
0x78: {  	v2 =	vld.idx.msk [tilespmem:v2+s3+$0x0], $0xffff;
	v0 =	vadd.f32 v1, v0  }
0x79: {  	v3 =	vld.idx.msk [tilespmem:v3+s3+$0x0], $0xffff  }
0x7a: {  	[tilespmem:s14+$0x20] =	vst v0  }
0x7b: {  	v0 =	vld [tilespmem:s19+$0x40]  }
0x7c: {  	s16 =	simm.s32 $0x2A70;
	v1 =	vld [tilespmem:s19+$0xC0]  }
0x7d: {  	v4 =	vld [tilespmem:s16+$0x10]  }
0x7e: {  	v5 =	vld [tilespmem:s16+$0x90];
	v2 =	vadd.f32 v3, v2  }
0x7f: {  	v6 =	vld [tilespmem:s16+$0xFFFFFF10]  }
0x80: {  	v7 =	vld [tilespmem:s16+$0xFFFFFF90];
	[tilespmem:s14+$0xFFFFFFA0] =	vst v2  }
0x81: {  	v2 =	vld [tilespmem:s19+$0xFFFFFF40]  }
0x82: {  	v3 =	vld [tilespmem:s19+$0xFFFFFFC0]  }
0x83: {  	v0 =	vld.idx.msk [tilespmem:v0+s3+$0x0], $0xffff  }
0x84: {  	v1 =	vld.idx.msk [tilespmem:v1+s3+$0x0], $0xffff;
	_ =	sdelay $0x2  }
0x85: {  	v4 =	vld.idx.msk [tilespmem:v4+s3+$0x0], $0xffff  }
0x86: {  	v6 =	vld.idx.msk [tilespmem:v6+s3+$0x0], $0xffff  }
0x87: {  	v0 =	vadd.f32 v1, v0;
	v1 =	vld.idx.msk [tilespmem:v5+s3+$0x0], $0xffff  }
0x88: {  	v7 =	vld.idx.msk [tilespmem:v7+s3+$0x0], $0xffff  }
0x89: {  	v2 =	vld.idx.msk [tilespmem:v2+s3+$0x0], $0xffff  }
0x8a: {  	v3 =	vld.idx.msk [tilespmem:v3+s3+$0x0], $0xffff;
	[tilespmem:s14+$0x30] =	vst v0  }
0x8b: {  	v0 =	vld [tilespmem:s19+$0x50]  }
0x8c: {  	v5 =	vld [tilespmem:s19+$0xD0];
	v1 =	vadd.f32 v1, v4  }
0x8d: {  	s15 =	simm.s32 $0x7900  }
0x8e: {  	v4 =	vadd.f32 v7, v6;
	[tilespmem:s15+$0x0] =	vst v1  }
0x8f: {  	v1 =	vld [tilespmem:s16+$0x20]  }
0x90: {  	v2 =	vadd.f32 v3, v2;
	[tilespmem:s15+$0xFFFFFF80] =	vst v4;
	v3 =	vld [tilespmem:s16+$0xA0]  }
0x91: {  	v4 =	vld [tilespmem:s16+$0xFFFFFF20]  }
0x92: {  	v6 =	vld [tilespmem:s16+$0xFFFFFFA0]  }
0x93: {  	v0 =	vld.idx.msk [tilespmem:v0+s3+$0x0], $0xffff  }
0x94: {  	[tilespmem:s14+$0xFFFFFFB0] =	vst v2;
	v2 =	vld.idx.msk [tilespmem:v5+s3+$0x0], $0xffff;
	_ =	sdelay $0x1  }
0x95: {  	v7 =	vld [tilespmem:s19+$0xFFFFFFD0]  }
0x96: {  	v5 =	vld [tilespmem:s19+$0xFFFFFF50]  }
0x97: {  	v1 =	vld.idx.msk [tilespmem:v1+s3+$0x0], $0xffff  }
0x98: {  	v0 =	vadd.f32 v2, v0;
	v2 =	vld.idx.msk [tilespmem:v3+s3+$0x0], $0xffff  }
0x99: {  	v4 =	vld.idx.msk [tilespmem:v4+s3+$0x0], $0xffff  }
0x9a: {  	v6 =	vld.idx.msk [tilespmem:v6+s3+$0x0], $0xffff;
	[tilespmem:s14+$0x40] =	vst v0  }
0x9b: {  	v0 =	vld [tilespmem:s19+$0x60]  }
0x9c: {  	v3 =	vld [tilespmem:s19+$0xE0]  }
0x9d: {  	v1 =	vadd.f32 v2, v1  }
0x9e: {  	v2 =	vld.idx.msk [tilespmem:v5+s3+$0x0], $0xffff  }
0x9f: {  	v5 =	vld.idx.msk [tilespmem:v7+s3+$0x0], $0xffff;
	v4 =	vadd.f32 v6, v4;
	[tilespmem:s15+$0x10] =	vst v1  }
0xa0: {  	v1 =	vld [tilespmem:s16+$0x30]  }
0xa1: {  	[tilespmem:s15+$0xFFFFFF90] =	vst v4;
	v7 =	vld [tilespmem:s16+$0xB0]  }
0xa2: {  	v4 =	vld [tilespmem:s16+$0xFFFFFF30]  }
0xa3: {  	v0 =	vld.idx.msk [tilespmem:v0+s3+$0x0], $0xffff  }
0xa4: {  	v2 =	vadd.f32 v5, v2;
	v3 =	vld.idx.msk [tilespmem:v3+s3+$0x0], $0xffff;
	_ =	sdelay $0x1  }
0xa5: {  	[tilespmem:s14+$0xFFFFFFC0] =	vst v2;
	v2 =	vld [tilespmem:s16+$0xFFFFFFB0]  }
0xa6: {  	v5 =	vld [tilespmem:s19+$0xFFFFFF60]  }
0xa7: {  	v6 =	vld [tilespmem:s19+$0xFFFFFFE0]  }
0xa8: {  	v1 =	vld.idx.msk [tilespmem:v1+s3+$0x0], $0xffff;
	v0 =	vadd.f32 v3, v0  }
0xa9: {  	v3 =	vld.idx.msk [tilespmem:v7+s3+$0x0], $0xffff  }
0xaa: {  	s17 =	simm.s32 $0x1C0;
	v4 =	vld.idx.msk [tilespmem:v4+s3+$0x0], $0xffff;
	[tilespmem:s14+$0x50] =	vst v0  }
0xab: {  	s17 =	sor.u32 $0xE0, s17;
	v0 =	vld [tilespmem:s19+$0x70]  }
0xac: {  	v7 =	vld [tilespmem:s17+$0x2780]  }
0xad: {  	s17 =	simm.s32 $0x2C70;
	v2 =	vld.idx.msk [tilespmem:v2+s3+$0x0], $0xffff  }
0xae: {  	v8 =	vld [tilespmem:s17+$0x10]  }
0xaf: {  	v9 =	vld [tilespmem:s17+$0x90]  }
0xb0: {  	v10 =	vld [tilespmem:s17+$0xFFFFFF90]  }
0xb1: {  	v11 =	vld [tilespmem:s17+$0xFFFFFF10];
	v1 =	vadd.f32 v3, v1  }
0xb2: {  	v3 =	vld.idx.msk [tilespmem:v5+s3+$0x0], $0xffff  }
0xb3: {  	v6 =	vld.idx.msk [tilespmem:v6+s3+$0x0], $0xffff;
	[tilespmem:s15+$0x20] =	vst v1  }
0xb4: {  	v1 =	vld [tilespmem:s16+$0x40]  }
0xb5: {  	v5 =	vld [tilespmem:s16+$0xC0];
	v2 =	vadd.f32 v2, v4  }
0xb6: {  	v0 =	vld.idx.msk [tilespmem:v0+s3+$0x0], $0xffff  }
0xb7: {  	v4 =	vld.idx.msk [tilespmem:v7+s3+$0x0], $0xffff;
	[tilespmem:s15+$0xFFFFFFA0] =	vst v2  }
0xb8: {  	v2 =	vld [tilespmem:s16+$0xFFFFFF40]  }
0xb9: {  	v7 =	vld [tilespmem:s16+$0xFFFFFFC0]  }
0xba: {  	v8 =	vld.idx.msk [tilespmem:v8+s3+$0x0], $0xffff  }
0xbb: {  	v9 =	vld.idx.msk [tilespmem:v9+s3+$0x0], $0xffff  }
0xbc: {  	v0 =	vadd.f32 v4, v0;
	v1 =	vld.idx.msk [tilespmem:v1+s3+$0x0], $0xffff  }
0xbd: {  	s18 =	simm.s32 $0x1E0;
	v4 =	vld.idx.msk [tilespmem:v5+s3+$0x0], $0xffff  }
0xbe: {  	s18 =	sor.u32 $0xF0, s18;
	v10 =	vld.idx.msk [tilespmem:v10+s3+$0x0], $0xffff;
	[tilespmem:s14+$0x60] =	vst v0  }
0xbf: {  	v5 =	vld [tilespmem:s18+$0x2780]  }
0xc0: {  	v8 =	vadd.f32 v9, v8;
	v2 =	vld.idx.msk [tilespmem:v2+s3+$0x0], $0xffff  }
0xc1: {  	s18 =	simm.s32 $0x7A00;
	v7 =	vld.idx.msk [tilespmem:v7+s3+$0x0], $0xffff  }
0xc2: {  	v0 =	vld [tilespmem:s19+$0x80];
	[tilespmem:s18+$0x0] =	vst v8;
	v1 =	vadd.f32 v4, v1  }
0xc3: {  	v56 =	vld [tilespmem:s17+$0x20]  }
0xc4: {  	v3 =	vadd.f32 v6, v3;
	v6 =	vld [tilespmem:s17+$0xA0];
	[tilespmem:s15+$0x30] =	vst v1  }
0xc5: {  	v4 =	vld [tilespmem:s16+$0x50]  }
0xc6: {  	v2 =	vadd.f32 v7, v2;
	v7 =	vld.idx.msk [tilespmem:v11+s3+$0x0], $0xffff  }
0xc7: {  	v1 =	vld.idx.msk [tilespmem:v5+s3+$0x0], $0xffff  }
0xc8: {  	v5 =	vld [tilespmem:s16+$0xD0];
	[tilespmem:s15+$0xFFFFFFB0] =	vst v2  }
0xc9: {  	v2 =	vld [tilespmem:s16+$0xFFFFFF50]  }
0xca: {  	v8 =	vld [tilespmem:s16+$0xFFFFFFD0]  }
0xcb: {  	v9 =	vld.idx.msk [tilespmem:v56+s3+$0x0], $0xffff  }
0xcc: {  	[tilespmem:s14+$0xFFFFFFD0] =	vst v3;
	v6 =	vld.idx.msk [tilespmem:v6+s3+$0x0], $0xffff  }
0xcd: {  	v3 =	vadd.f32 v10, v7;
	v7 =	vld [tilespmem:s19+$0xFFFFFF70]  }
0xce: {  	v4 =	vld.idx.msk [tilespmem:v4+s3+$0x0], $0xffff  }
0xcf: {  	[tilespmem:s18+$0xFFFFFF80] =	vst v3;
	v3 =	vld [tilespmem:s19+$0xFFFFFFF0]  }
0xd0: {  	v5 =	vld.idx.msk [tilespmem:v5+s3+$0x0], $0xffff  }
0xd1: {  	v57 =	vld [tilespmem:s17+$0xFFFFFF20];
	v6 =	vadd.f32 v6, v9  }
0xd2: {  	v58 =	vld [tilespmem:s17+$0xFFFFFFA0]  }
0xd3: {  	v2 =	vld.idx.msk [tilespmem:v2+s3+$0x0], $0xffff;
	[tilespmem:s18+$0x10] =	vst v6  }
0xd4: {  	v6 =	vld [tilespmem:s17+$0x30]  }
0xd5: {  	v7 =	vld.idx.msk [tilespmem:v7+s3+$0x0], $0xffff;
	v4 =	vadd.f32 v5, v4  }
0xd6: {  	v5 =	vld.idx.msk [tilespmem:v8+s3+$0x0], $0xffff  }
0xd7: {  	v3 =	vld.idx.msk [tilespmem:v3+s3+$0x0], $0xffff;
	[tilespmem:s15+$0x40] =	vst v4  }
0xd8: {  	v4 =	vld [tilespmem:s16+$0x60]  }
0xd9: {  	v8 =	vld [tilespmem:s16+$0xE0]  }
0xda: {  	v10 =	vld.idx.msk [tilespmem:v57+s3+$0x0], $0xffff  }
0xdb: {  	v11 =	vld.idx.msk [tilespmem:v58+s3+$0x0], $0xffff  }
0xdc: {  	v0 =	vld.idx.msk [tilespmem:v0+s3+$0x0], $0xffff;
	v3 =	vadd.f32 v3, v7  }
0xdd: {  	v2 =	vadd.f32 v5, v2;
	v5 =	vld [tilespmem:s17+$0xB0]  }
0xde: {  	v6 =	vld.idx.msk [tilespmem:v6+s3+$0x0], $0xffff;
	[tilespmem:s14+$0xFFFFFFE0] =	vst v3  }
0xdf: {  	v61 =	vld [tilespmem:s19+$0x0]  }
0xe0: {  	[tilespmem:s15+$0xFFFFFFC0] =	vst v2;
	v2 =	vadd.f32 v11, v10;
	v4 =	vld.idx.msk [tilespmem:v4+s3+$0x0], $0xffff  }
0xe1: {  	v8 =	vld.idx.msk [tilespmem:v8+s3+$0x0], $0xffff  }
0xe2: {  	v59 =	vld [tilespmem:s16+$0xFFFFFF60];
	[tilespmem:s18+$0xFFFFFF90] =	vst v2  }
0xe3: {  	v60 =	vld [tilespmem:s17+$0xFFFFFF30]  }
0xe4: {  	v7 =	vld [tilespmem:s17+$0xFFFFFFB0]  }
0xe5: {  	v2 =	vld [tilespmem:s16+$0xFFFFFFE0]  }
0xe6: {  	v3 =	vld.idx.msk [tilespmem:v5+s3+$0x0], $0xffff;
	v4 =	vadd.f32 v8, v4  }
0xe7: {  	v8 =	vld [tilespmem:s19+$0xFFFFFF80]  }
0xe8: {  	s20 =	simm.s32 $0x3C0;
	v63 =	vadd.f32 v1, v0;
	v1 =	vld.idx.msk [tilespmem:v61+s3+$0x0], $0xffff;
	[tilespmem:s15+$0x50] =	vst v4  }
0xe9: {  	s31 =	sor.u32 $0xE0, s20;
	v12 =	vld [tilespmem:s16+$0x70]  }
0xea: {  	v13 =	vld [tilespmem:s31+$0x2780]  }
0xeb: {  	v10 =	vld.idx.msk [tilespmem:v60+s3+$0x0], $0xffff  }
0xec: {  	v7 =	vld.idx.msk [tilespmem:v7+s3+$0x0], $0xffff;
	v3 =	vadd.f32 v3, v6  }
0xed: {  	v62 =	vld.idx.msk [tilespmem:v2+s3+$0x0], $0xffff  }
0xee: {  	v6 =	vld.idx.msk [tilespmem:v59+s3+$0x0], $0xffff;
	[tilespmem:s18+$0x20] =	vst v3  }
0xef: {  	v4 =	vld [tilespmem:s17+$0x40]  }
0xf0: {  	v5 =	vld [tilespmem:s17+$0xC0]  }
0xf1: {  	v7 =	vadd.f32 v7, v10;
	v2 =	vld.idx.msk [tilespmem:v12+s3+$0x0], $0xffff  }
0xf2: {  	v3 =	vld.idx.msk [tilespmem:v13+s3+$0x0], $0xffff  }
0xf3: {  	v0 =	vld.idx.msk [tilespmem:v8+s3+$0x0], $0xffff;
	v8 =	vadd.f32 v62, v6;
	[tilespmem:s18+$0xFFFFFFA0] =	vst v7  }
0xf4: {  	[tilespmem:s14+$0x70] =	vst v63;
	v6 =	vld [tilespmem:s17+$0xFFFFFF40]  }
0xf5: {  	s21 =	simm.s32 $0x2E70;
	s20 =	simm.s32 $0x4;
	s19 =	simm.s32 $0x3E0;
	v7 =	vld [tilespmem:s17+$0xFFFFFFC0];
	[tilespmem:s15+$0xFFFFFFD0] =	vst v8  }
.LBB2_6:
0xf6: {  	v8 =	vld [tilespmem:s21+$0x10]  }
0xf7: {  	v2 =	vadd.f32 v3, v2;
	v9 =	vld [tilespmem:s21+$0x90]  }
0xf8: {  	v3 =	vld.idx.msk [tilespmem:v4+s3+$0x0], $0xffff  }
0xf9: {  	v0 =	vadd.f32 v1, v0;
	v4 =	vld.idx.msk [tilespmem:v5+s3+$0x0], $0xffff;
	[tilespmem:s15+$0x60] =	vst v2  }
0xfa: {  	s22 =	sor.u32 $0xF0, s19;
	v1 =	vld [tilespmem:s16+$0x80]  }
0xfb: {  	v2 =	vld [tilespmem:s22+$0x2780];
	[tilespmem:s14+$0xFFFFFFF0] =	vst v0;
	s14 =	smov.u32 s15;
	s15 =	smov.u32 s18  }
0xfc: {  	v0 =	vld [tilespmem:s21+$0xFFFFFF90]  }
0xfd: {  	v5 =	vld [tilespmem:s21+$0xFFFFFF10]  }
0xfe: {  	v6 =	vld.idx.msk [tilespmem:v6+s3+$0x0], $0xffff  }
0xff: {  	v7 =	vld.idx.msk [tilespmem:v7+s3+$0x0], $0xffff  }
0x100: {  	v8 =	vld.idx.msk [tilespmem:v8+s3+$0x0], $0xffff  }
0x101: {  	v3 =	vadd.f32 v4, v3;
	v9 =	vld.idx.msk [tilespmem:v9+s3+$0x0], $0xffff  }
0x102: {  	v1 =	vld.idx.msk [tilespmem:v1+s3+$0x0], $0xffff  }
0x103: {  	[tilespmem:s18+$0x30] =	vst v3;
	v2 =	vld.idx.msk [tilespmem:v2+s3+$0x0], $0xffff  }
0x104: {  	s20 =	sadd.s32 $0x2, s20;
	v3 =	vld [tilespmem:s17+$0x50]  }
0x105: {  	p1 =	slt.u32 s20, $0x12;
	v4 =	vadd.f32 v7, v6;
	v6 =	vld [tilespmem:s17+$0xD0]  }
0x106: {  	v5 =	vld.idx.msk [tilespmem:v5+s3+$0x0], $0xffff  }
0x107: {  	v7 =	vadd.f32 v9, v8;
	v0 =	vld.idx.msk [tilespmem:v0+s3+$0x0], $0xffff;
	[tilespmem:s18+$0xFFFFFFB0] =	vst v4  }
0x108: {  	s18 =	sadd.s32 $0x100, s18;
	v4 =	vld [tilespmem:s17+$0xFFFFFF50]  }
0x109: {  	v1 =	vadd.f32 v2, v1;
	[tilespmem:s18+$0x0] =	vst v7;
	v7 =	vld [tilespmem:s17+$0xFFFFFFD0]  }
0x10a: {  	v2 =	vld [tilespmem:s21+$0x20]  }
0x10b: {  	v8 =	vld [tilespmem:s21+$0xA0];
	[tilespmem:s14+$0x70] =	vst v1  }
0x10c: {  	v1 =	vld.idx.msk [tilespmem:v3+s3+$0x0], $0xffff  }
0x10d: {  	v0 =	vadd.f32 v0, v5;
	v3 =	vld.idx.msk [tilespmem:v6+s3+$0x0], $0xffff  }
0x10e: {  	v5 =	vld [tilespmem:s16+$0xFFFFFF70]  }
0x10f: {  	[tilespmem:s18+$0xFFFFFF80] =	vst v0;
	v0 =	vld [tilespmem:s16+$0xFFFFFFF0]  }
0x110: {  	v6 =	vld [tilespmem:s21+$0xFFFFFF20]  }
0x111: {  	v9 =	vld [tilespmem:s21+$0xFFFFFFA0]  }
0x112: {  	v2 =	vld.idx.msk [tilespmem:v2+s3+$0x0], $0xffff  }
0x113: {  	v1 =	vadd.f32 v3, v1;
	v8 =	vld.idx.msk [tilespmem:v8+s3+$0x0], $0xffff  }
0x114: {  	v3 =	vld.idx.msk [tilespmem:v4+s3+$0x0], $0xffff  }
0x115: {  	v4 =	vld.idx.msk [tilespmem:v7+s3+$0x0], $0xffff;
	[tilespmem:s15+$0x40] =	vst v1  }
0x116: {  	v1 =	vld [tilespmem:s17+$0x60]  }
0x117: {  	v7 =	vld [tilespmem:s17+$0xE0]  }
0x118: {  	v6 =	vld.idx.msk [tilespmem:v6+s3+$0x0], $0xffff  }
0x119: {  	v2 =	vadd.f32 v8, v2;
	v9 =	vld.idx.msk [tilespmem:v9+s3+$0x0], $0xffff  }
0x11a: {  	v5 =	vld.idx.msk [tilespmem:v5+s3+$0x0], $0xffff  }
0x11b: {  	[tilespmem:s18+$0x10] =	vst v2;
	v2 =	vadd.f32 v4, v3;
	v0 =	vld.idx.msk [tilespmem:v0+s3+$0x0], $0xffff  }
0x11c: {  	v3 =	vld [tilespmem:s21+$0x30]  }
0x11d: {  	v4 =	vld [tilespmem:s21+$0xB0];
	[tilespmem:s15+$0xFFFFFFC0] =	vst v2  }
0x11e: {  	v1 =	vld.idx.msk [tilespmem:v1+s3+$0x0], $0xffff  }
0x11f: {  	v2 =	vadd.f32 v9, v6;
	v6 =	vld.idx.msk [tilespmem:v7+s3+$0x0], $0xffff  }
0x120: {  	v7 =	vld [tilespmem:s17+$0xFFFFFF60]  }
0x121: {  	v0 =	vadd.f32 v0, v5;
	[tilespmem:s18+$0xFFFFFF90] =	vst v2;
	v2 =	vld [tilespmem:s17+$0xFFFFFFE0]  }
0x122: {  	v5 =	vld [tilespmem:s21+$0xFFFFFF30]  }
0x123: {  	v8 =	vld [tilespmem:s21+$0xFFFFFFB0];
	[tilespmem:s14+$0xFFFFFFE0] =	vst v0  }
0x124: {  	v0 =	vld.idx.msk [tilespmem:v3+s3+$0x0], $0xffff  }
0x125: {  	v1 =	vadd.f32 v6, v1;
	v3 =	vld.idx.msk [tilespmem:v4+s3+$0x0], $0xffff  }
0x126: {  	s19 =	sadd.s32 $0x200, s19;
	v6 =	vld [tilespmem:s16+$0xFFFFFF80]  }
0x127: {  	s22 =	sadd.s32 $0xFFFFFFE0, s19;
	[tilespmem:s15+$0x50] =	vst v1;
	v1 =	vld [tilespmem:s16+$0x0];
	s16 =	smov.u32 s17;
	s17 =	smov.u32 s21  }
0x128: {  	s22 =	sor.u32 $0xE0, s22;
	v9 =	vld [tilespmem:s16+$0x70]  }
0x129: {  	v10 =	vld [tilespmem:s22+$0x2780]  }
0x12a: {  	v11 =	vld.idx.msk [tilespmem:v5+s3+$0x0], $0xffff  }
0x12b: {  	v0 =	vadd.f32 v3, v0;
	v8 =	vld.idx.msk [tilespmem:v8+s3+$0x0], $0xffff  }
0x12c: {  	v7 =	vld.idx.msk [tilespmem:v7+s3+$0x0], $0xffff  }
0x12d: {  	[tilespmem:s18+$0x20] =	vst v0;
	v12 =	vld.idx.msk [tilespmem:v2+s3+$0x0], $0xffff  }
0x12e: {  	v4 =	vld [tilespmem:s21+$0x40]  }
0x12f: {  	v5 =	vld [tilespmem:s21+$0xC0]  }
0x130: {  	v2 =	vld.idx.msk [tilespmem:v9+s3+$0x0], $0xffff  }
.Ltmp3:
0x131: {  	v8 =	vadd.f32 v8, v11;
	v3 =	vld.idx.msk [tilespmem:v10+s3+$0x0], $0xffff;
	(pc) =	sbr.rel @p1 .LBB2_6-.Ltmp3, $4  }
0x132: {  	v0 =	vld.idx.msk [tilespmem:v6+s3+$0x0], $0xffff  }
0x133: {  	[tilespmem:s18+$0xFFFFFFA0] =	vst v8;
	v8 =	vadd.f32 v12, v7;
	v1 =	vld.idx.msk [tilespmem:v1+s3+$0x0], $0xffff  }
0x134: {  	v6 =	vld [tilespmem:s21+$0xFFFFFF40]  }
0x135: {  	s21 =	sadd.s32 $0x200, s21;
	v7 =	vld [tilespmem:s17+$0xFFFFFFC0];
	[tilespmem:s15+$0xFFFFFFD0] =	vst v8  }
.Ltmp4:
0x136: {  	_ = 	snop;
	(pc) =	sbr.rel .LBB2_7-.Ltmp4, $1  }
0x137: {  	_ =	sdelay $0x3  }
.LBB2_2:
0x138: {  	[tilespmem:s9], [sflag:$0x2] =	stream.linear.gather [hbm4b:s4+s3], $0x5000, $0x38;
	[tilespmem:$0x9F80] =	vst v63  }
0x139: {  	_ =	swait.ge [sflag:s10], $0x5000  }
0x13a: {  	[sflag:s10] =	ssyncset.done $0x0  }
0x13b: {  	[sflag:s10] =	ssyncadd.s32 $0xFFFFB000  }
0x13c: {  	_ =	swait.ge [sflag:s11], $0x2780  }
0x13d: {  	[sflag:s11] =	ssyncset.done $0x0  }
0x13e: {  	s19 =	simm.s32 $0x2870;
	[sflag:s11] =	ssyncadd.s32 $0xFFFFD880  }
0x13f: {  	v0 =	vld [tilespmem:s19+$0x10]  }
0x140: {  	v1 =	vld [tilespmem:s19+$0x90];
	_ =	sdelay $0x4  }
0x141: {  	v2 =	vld [tilespmem:s19+$0xFFFFFF10]  }
0x142: {  	v3 =	vld [tilespmem:s19+$0xFFFFFF90]  }
0x143: {  	v0 =	vld.idx.msk [tilespmem:v0+s3+$0x0], $0xffff  }
0x144: {  	v1 =	vld.idx.msk [tilespmem:v1+s3+$0x0], $0xffff;
	_ =	sdelay $0x4  }
0x145: {  	v2 =	vld.idx.msk [tilespmem:v2+s3+$0x0], $0xffff;
	v0 =	vadd.f32 v1, v0  }
0x146: {  	s14 =	simm.s32 $0x7800;
	v3 =	vld.idx.msk [tilespmem:v3+s3+$0x0], $0xffff  }
0x147: {  	[tilespmem:s14+$0x0] =	vst v0  }
0x148: {  	v0 =	vld [tilespmem:s19+$0x20]  }
0x149: {  	v1 =	vld [tilespmem:s19+$0xA0];
	_ =	sdelay $0x1  }
0x14a: {  	v2 =	vadd.f32 v3, v2;
	_ =	sdelay $0x1  }
0x14b: {  	[tilespmem:s14+$0xFFFFFF80] =	vst v2  }
0x14c: {  	v2 =	vld [tilespmem:s19+$0xFFFFFF20]  }
0x14d: {  	v3 =	vld [tilespmem:s19+$0xFFFFFFA0]  }
0x14e: {  	v0 =	vld.idx.msk [tilespmem:v0+s3+$0x0], $0xffff  }
0x14f: {  	v1 =	vld.idx.msk [tilespmem:v1+s3+$0x0], $0xffff;
	_ =	sdelay $0x4  }
0x150: {  	v2 =	vld.idx.msk [tilespmem:v2+s3+$0x0], $0xffff;
	v0 =	vadd.f32 v1, v0  }
0x151: {  	v3 =	vld.idx.msk [tilespmem:v3+s3+$0x0], $0xffff  }
0x152: {  	[tilespmem:s14+$0x10] =	vst v0  }
0x153: {  	v0 =	vld [tilespmem:s19+$0x30]  }
0x154: {  	v1 =	vld [tilespmem:s19+$0xB0];
	_ =	sdelay $0x1  }
0x155: {  	v2 =	vadd.f32 v3, v2;
	_ =	sdelay $0x1  }
0x156: {  	[tilespmem:s14+$0xFFFFFF90] =	vst v2  }
0x157: {  	v2 =	vld [tilespmem:s19+$0xFFFFFF30]  }
0x158: {  	v3 =	vld [tilespmem:s19+$0xFFFFFFB0]  }
0x159: {  	v0 =	vld.idx.msk [tilespmem:v0+s3+$0x0], $0xffff  }
0x15a: {  	v1 =	vld.idx.msk [tilespmem:v1+s3+$0x0], $0xffff;
	_ =	sdelay $0x4  }
0x15b: {  	v2 =	vld.idx.msk [tilespmem:v2+s3+$0x0], $0xffff;
	v0 =	vadd.f32 v1, v0  }
0x15c: {  	v3 =	vld.idx.msk [tilespmem:v3+s3+$0x0], $0xffff  }
0x15d: {  	[tilespmem:s14+$0x20] =	vst v0  }
0x15e: {  	v0 =	vld [tilespmem:s19+$0x40]  }
0x15f: {  	s16 =	simm.s32 $0x2A70;
	v1 =	vld [tilespmem:s19+$0xC0]  }
0x160: {  	v4 =	vld [tilespmem:s16+$0x10]  }
0x161: {  	v5 =	vld [tilespmem:s16+$0x90];
	v2 =	vadd.f32 v3, v2  }
0x162: {  	v6 =	vld [tilespmem:s16+$0xFFFFFF10]  }
0x163: {  	v7 =	vld [tilespmem:s16+$0xFFFFFF90];
	[tilespmem:s14+$0xFFFFFFA0] =	vst v2  }
0x164: {  	v2 =	vld [tilespmem:s19+$0xFFFFFF40]  }
0x165: {  	v3 =	vld [tilespmem:s19+$0xFFFFFFC0]  }
0x166: {  	v0 =	vld.idx.msk [tilespmem:v0+s3+$0x0], $0xffff  }
0x167: {  	v1 =	vld.idx.msk [tilespmem:v1+s3+$0x0], $0xffff;
	_ =	sdelay $0x2  }
0x168: {  	v4 =	vld.idx.msk [tilespmem:v4+s3+$0x0], $0xffff  }
0x169: {  	v6 =	vld.idx.msk [tilespmem:v6+s3+$0x0], $0xffff  }
0x16a: {  	v0 =	vadd.f32 v1, v0;
	v1 =	vld.idx.msk [tilespmem:v5+s3+$0x0], $0xffff  }
0x16b: {  	v7 =	vld.idx.msk [tilespmem:v7+s3+$0x0], $0xffff  }
0x16c: {  	v2 =	vld.idx.msk [tilespmem:v2+s3+$0x0], $0xffff  }
0x16d: {  	v3 =	vld.idx.msk [tilespmem:v3+s3+$0x0], $0xffff;
	[tilespmem:s14+$0x30] =	vst v0  }
0x16e: {  	v0 =	vld [tilespmem:s19+$0x50]  }
0x16f: {  	v5 =	vld [tilespmem:s19+$0xD0];
	v1 =	vadd.f32 v1, v4  }
0x170: {  	s15 =	simm.s32 $0x7900  }
0x171: {  	v4 =	vadd.f32 v7, v6;
	[tilespmem:s15+$0x0] =	vst v1  }
0x172: {  	v1 =	vld [tilespmem:s16+$0x20]  }
0x173: {  	v2 =	vadd.f32 v3, v2;
	[tilespmem:s15+$0xFFFFFF80] =	vst v4;
	v3 =	vld [tilespmem:s16+$0xA0]  }
0x174: {  	v4 =	vld [tilespmem:s16+$0xFFFFFF20]  }
0x175: {  	v6 =	vld [tilespmem:s16+$0xFFFFFFA0]  }
0x176: {  	v0 =	vld.idx.msk [tilespmem:v0+s3+$0x0], $0xffff  }
0x177: {  	[tilespmem:s14+$0xFFFFFFB0] =	vst v2;
	v2 =	vld.idx.msk [tilespmem:v5+s3+$0x0], $0xffff;
	_ =	sdelay $0x1  }
0x178: {  	v7 =	vld [tilespmem:s19+$0xFFFFFFD0]  }
0x179: {  	v5 =	vld [tilespmem:s19+$0xFFFFFF50]  }
0x17a: {  	v1 =	vld.idx.msk [tilespmem:v1+s3+$0x0], $0xffff  }
0x17b: {  	v0 =	vadd.f32 v2, v0;
	v2 =	vld.idx.msk [tilespmem:v3+s3+$0x0], $0xffff  }
0x17c: {  	v4 =	vld.idx.msk [tilespmem:v4+s3+$0x0], $0xffff  }
0x17d: {  	v6 =	vld.idx.msk [tilespmem:v6+s3+$0x0], $0xffff;
	[tilespmem:s14+$0x40] =	vst v0  }
0x17e: {  	v0 =	vld [tilespmem:s19+$0x60]  }
0x17f: {  	v3 =	vld [tilespmem:s19+$0xE0]  }
0x180: {  	v1 =	vadd.f32 v2, v1  }
0x181: {  	v2 =	vld.idx.msk [tilespmem:v5+s3+$0x0], $0xffff  }
0x182: {  	v5 =	vld.idx.msk [tilespmem:v7+s3+$0x0], $0xffff;
	v4 =	vadd.f32 v6, v4;
	[tilespmem:s15+$0x10] =	vst v1  }
0x183: {  	v1 =	vld [tilespmem:s16+$0x30]  }
0x184: {  	[tilespmem:s15+$0xFFFFFF90] =	vst v4;
	v7 =	vld [tilespmem:s16+$0xB0]  }
0x185: {  	v4 =	vld [tilespmem:s16+$0xFFFFFF30]  }
0x186: {  	v0 =	vld.idx.msk [tilespmem:v0+s3+$0x0], $0xffff  }
0x187: {  	v2 =	vadd.f32 v5, v2;
	v3 =	vld.idx.msk [tilespmem:v3+s3+$0x0], $0xffff;
	_ =	sdelay $0x1  }
0x188: {  	[tilespmem:s14+$0xFFFFFFC0] =	vst v2;
	v2 =	vld [tilespmem:s16+$0xFFFFFFB0]  }
0x189: {  	v5 =	vld [tilespmem:s19+$0xFFFFFF60]  }
0x18a: {  	v6 =	vld [tilespmem:s19+$0xFFFFFFE0]  }
0x18b: {  	v1 =	vld.idx.msk [tilespmem:v1+s3+$0x0], $0xffff;
	v0 =	vadd.f32 v3, v0  }
0x18c: {  	v3 =	vld.idx.msk [tilespmem:v7+s3+$0x0], $0xffff  }
0x18d: {  	s17 =	simm.s32 $0x1C0;
	v4 =	vld.idx.msk [tilespmem:v4+s3+$0x0], $0xffff;
	[tilespmem:s14+$0x50] =	vst v0  }
0x18e: {  	s17 =	sor.u32 $0xE0, s17;
	v0 =	vld [tilespmem:s19+$0x70]  }
0x18f: {  	v7 =	vld [tilespmem:s17+$0x2780]  }
0x190: {  	s17 =	simm.s32 $0x2C70;
	v2 =	vld.idx.msk [tilespmem:v2+s3+$0x0], $0xffff  }
0x191: {  	v8 =	vld [tilespmem:s17+$0x10]  }
0x192: {  	v9 =	vld [tilespmem:s17+$0x90]  }
0x193: {  	v10 =	vld [tilespmem:s17+$0xFFFFFF90]  }
0x194: {  	v11 =	vld [tilespmem:s17+$0xFFFFFF10];
	v1 =	vadd.f32 v3, v1  }
0x195: {  	v3 =	vld.idx.msk [tilespmem:v5+s3+$0x0], $0xffff  }
0x196: {  	v6 =	vld.idx.msk [tilespmem:v6+s3+$0x0], $0xffff;
	[tilespmem:s15+$0x20] =	vst v1  }
0x197: {  	v1 =	vld [tilespmem:s16+$0x40]  }
0x198: {  	v5 =	vld [tilespmem:s16+$0xC0];
	v2 =	vadd.f32 v2, v4  }
0x199: {  	v0 =	vld.idx.msk [tilespmem:v0+s3+$0x0], $0xffff  }
0x19a: {  	v4 =	vld.idx.msk [tilespmem:v7+s3+$0x0], $0xffff;
	[tilespmem:s15+$0xFFFFFFA0] =	vst v2  }
0x19b: {  	v2 =	vld [tilespmem:s16+$0xFFFFFF40]  }
0x19c: {  	v7 =	vld [tilespmem:s16+$0xFFFFFFC0]  }
0x19d: {  	v8 =	vld.idx.msk [tilespmem:v8+s3+$0x0], $0xffff  }
0x19e: {  	v9 =	vld.idx.msk [tilespmem:v9+s3+$0x0], $0xffff  }
0x19f: {  	v0 =	vadd.f32 v4, v0;
	v1 =	vld.idx.msk [tilespmem:v1+s3+$0x0], $0xffff  }
0x1a0: {  	s18 =	simm.s32 $0x1E0;
	v4 =	vld.idx.msk [tilespmem:v5+s3+$0x0], $0xffff  }
0x1a1: {  	s18 =	sor.u32 $0xF0, s18;
	v10 =	vld.idx.msk [tilespmem:v10+s3+$0x0], $0xffff;
	[tilespmem:s14+$0x60] =	vst v0  }
0x1a2: {  	v5 =	vld [tilespmem:s18+$0x2780]  }
0x1a3: {  	v8 =	vadd.f32 v9, v8;
	v2 =	vld.idx.msk [tilespmem:v2+s3+$0x0], $0xffff  }
0x1a4: {  	s18 =	simm.s32 $0x7A00;
	v7 =	vld.idx.msk [tilespmem:v7+s3+$0x0], $0xffff  }
0x1a5: {  	v0 =	vld [tilespmem:s19+$0x80];
	[tilespmem:s18+$0x0] =	vst v8;
	v1 =	vadd.f32 v4, v1  }
0x1a6: {  	v56 =	vld [tilespmem:s17+$0x20]  }
0x1a7: {  	v3 =	vadd.f32 v6, v3;
	v6 =	vld [tilespmem:s17+$0xA0];
	[tilespmem:s15+$0x30] =	vst v1  }
0x1a8: {  	v4 =	vld [tilespmem:s16+$0x50]  }
0x1a9: {  	v2 =	vadd.f32 v7, v2;
	v7 =	vld.idx.msk [tilespmem:v11+s3+$0x0], $0xffff  }
0x1aa: {  	v1 =	vld.idx.msk [tilespmem:v5+s3+$0x0], $0xffff  }
0x1ab: {  	v5 =	vld [tilespmem:s16+$0xD0];
	[tilespmem:s15+$0xFFFFFFB0] =	vst v2  }
0x1ac: {  	v2 =	vld [tilespmem:s16+$0xFFFFFF50]  }
0x1ad: {  	v8 =	vld [tilespmem:s16+$0xFFFFFFD0]  }
0x1ae: {  	v9 =	vld.idx.msk [tilespmem:v56+s3+$0x0], $0xffff  }
0x1af: {  	[tilespmem:s14+$0xFFFFFFD0] =	vst v3;
	v6 =	vld.idx.msk [tilespmem:v6+s3+$0x0], $0xffff  }
0x1b0: {  	v3 =	vadd.f32 v10, v7;
	v7 =	vld [tilespmem:s19+$0xFFFFFF70]  }
0x1b1: {  	v4 =	vld.idx.msk [tilespmem:v4+s3+$0x0], $0xffff  }
0x1b2: {  	[tilespmem:s18+$0xFFFFFF80] =	vst v3;
	v3 =	vld [tilespmem:s19+$0xFFFFFFF0]  }
0x1b3: {  	v5 =	vld.idx.msk [tilespmem:v5+s3+$0x0], $0xffff  }
0x1b4: {  	v57 =	vld [tilespmem:s17+$0xFFFFFF20];
	v6 =	vadd.f32 v6, v9  }
0x1b5: {  	v58 =	vld [tilespmem:s17+$0xFFFFFFA0]  }
0x1b6: {  	v2 =	vld.idx.msk [tilespmem:v2+s3+$0x0], $0xffff;
	[tilespmem:s18+$0x10] =	vst v6  }
0x1b7: {  	v6 =	vld [tilespmem:s17+$0x30]  }
0x1b8: {  	v7 =	vld.idx.msk [tilespmem:v7+s3+$0x0], $0xffff;
	v4 =	vadd.f32 v5, v4  }
0x1b9: {  	v5 =	vld.idx.msk [tilespmem:v8+s3+$0x0], $0xffff  }
0x1ba: {  	v3 =	vld.idx.msk [tilespmem:v3+s3+$0x0], $0xffff;
	[tilespmem:s15+$0x40] =	vst v4  }
0x1bb: {  	v4 =	vld [tilespmem:s16+$0x60]  }
0x1bc: {  	v8 =	vld [tilespmem:s16+$0xE0]  }
0x1bd: {  	v10 =	vld.idx.msk [tilespmem:v57+s3+$0x0], $0xffff  }
0x1be: {  	v11 =	vld.idx.msk [tilespmem:v58+s3+$0x0], $0xffff  }
0x1bf: {  	v0 =	vld.idx.msk [tilespmem:v0+s3+$0x0], $0xffff;
	v3 =	vadd.f32 v3, v7  }
0x1c0: {  	v2 =	vadd.f32 v5, v2;
	v5 =	vld [tilespmem:s17+$0xB0]  }
0x1c1: {  	v6 =	vld.idx.msk [tilespmem:v6+s3+$0x0], $0xffff;
	[tilespmem:s14+$0xFFFFFFE0] =	vst v3  }
0x1c2: {  	v61 =	vld [tilespmem:s19+$0x0]  }
0x1c3: {  	[tilespmem:s15+$0xFFFFFFC0] =	vst v2;
	v2 =	vadd.f32 v11, v10;
	v4 =	vld.idx.msk [tilespmem:v4+s3+$0x0], $0xffff  }
0x1c4: {  	v8 =	vld.idx.msk [tilespmem:v8+s3+$0x0], $0xffff  }
0x1c5: {  	v59 =	vld [tilespmem:s16+$0xFFFFFF60];
	[tilespmem:s18+$0xFFFFFF90] =	vst v2  }
0x1c6: {  	v60 =	vld [tilespmem:s17+$0xFFFFFF30]  }
0x1c7: {  	v7 =	vld [tilespmem:s17+$0xFFFFFFB0]  }
0x1c8: {  	v2 =	vld [tilespmem:s16+$0xFFFFFFE0]  }
0x1c9: {  	v3 =	vld.idx.msk [tilespmem:v5+s3+$0x0], $0xffff;
	v4 =	vadd.f32 v8, v4  }
0x1ca: {  	v8 =	vld [tilespmem:s19+$0xFFFFFF80]  }
0x1cb: {  	s20 =	simm.s32 $0x3C0;
	v63 =	vadd.f32 v1, v0;
	v1 =	vld.idx.msk [tilespmem:v61+s3+$0x0], $0xffff;
	[tilespmem:s15+$0x50] =	vst v4  }
0x1cc: {  	s31 =	sor.u32 $0xE0, s20;
	v12 =	vld [tilespmem:s16+$0x70]  }
0x1cd: {  	v13 =	vld [tilespmem:s31+$0x2780]  }
0x1ce: {  	v10 =	vld.idx.msk [tilespmem:v60+s3+$0x0], $0xffff  }
0x1cf: {  	v7 =	vld.idx.msk [tilespmem:v7+s3+$0x0], $0xffff;
	v3 =	vadd.f32 v3, v6  }
0x1d0: {  	v62 =	vld.idx.msk [tilespmem:v2+s3+$0x0], $0xffff  }
0x1d1: {  	v6 =	vld.idx.msk [tilespmem:v59+s3+$0x0], $0xffff;
	[tilespmem:s18+$0x20] =	vst v3  }
0x1d2: {  	v4 =	vld [tilespmem:s17+$0x40]  }
0x1d3: {  	v5 =	vld [tilespmem:s17+$0xC0]  }
0x1d4: {  	v7 =	vadd.f32 v7, v10;
	v2 =	vld.idx.msk [tilespmem:v12+s3+$0x0], $0xffff  }
0x1d5: {  	v3 =	vld.idx.msk [tilespmem:v13+s3+$0x0], $0xffff  }
0x1d6: {  	v0 =	vld.idx.msk [tilespmem:v8+s3+$0x0], $0xffff;
	v8 =	vadd.f32 v62, v6;
	[tilespmem:s18+$0xFFFFFFA0] =	vst v7  }
0x1d7: {  	[tilespmem:s14+$0x70] =	vst v63;
	v6 =	vld [tilespmem:s17+$0xFFFFFF40]  }
0x1d8: {  	s21 =	simm.s32 $0x2E70;
	s20 =	simm.s32 $0x4;
	s19 =	simm.s32 $0x3E0;
	v7 =	vld [tilespmem:s17+$0xFFFFFFC0];
	[tilespmem:s15+$0xFFFFFFD0] =	vst v8  }
.LBB2_3:
0x1d9: {  	v8 =	vld [tilespmem:s21+$0x10]  }
0x1da: {  	v2 =	vadd.f32 v3, v2;
	v9 =	vld [tilespmem:s21+$0x90]  }
0x1db: {  	v3 =	vld.idx.msk [tilespmem:v4+s3+$0x0], $0xffff  }
0x1dc: {  	v0 =	vadd.f32 v1, v0;
	v4 =	vld.idx.msk [tilespmem:v5+s3+$0x0], $0xffff;
	[tilespmem:s15+$0x60] =	vst v2  }
0x1dd: {  	s22 =	sor.u32 $0xF0, s19;
	v1 =	vld [tilespmem:s16+$0x80]  }
0x1de: {  	v2 =	vld [tilespmem:s22+$0x2780];
	[tilespmem:s14+$0xFFFFFFF0] =	vst v0;
	s14 =	smov.u32 s15;
	s15 =	smov.u32 s18  }
0x1df: {  	v0 =	vld [tilespmem:s21+$0xFFFFFF90]  }
0x1e0: {  	v5 =	vld [tilespmem:s21+$0xFFFFFF10]  }
0x1e1: {  	v6 =	vld.idx.msk [tilespmem:v6+s3+$0x0], $0xffff  }
0x1e2: {  	v7 =	vld.idx.msk [tilespmem:v7+s3+$0x0], $0xffff  }
0x1e3: {  	v8 =	vld.idx.msk [tilespmem:v8+s3+$0x0], $0xffff  }
0x1e4: {  	v3 =	vadd.f32 v4, v3;
	v9 =	vld.idx.msk [tilespmem:v9+s3+$0x0], $0xffff  }
0x1e5: {  	v1 =	vld.idx.msk [tilespmem:v1+s3+$0x0], $0xffff  }
0x1e6: {  	[tilespmem:s18+$0x30] =	vst v3;
	v2 =	vld.idx.msk [tilespmem:v2+s3+$0x0], $0xffff  }
0x1e7: {  	s20 =	sadd.s32 $0x2, s20;
	v3 =	vld [tilespmem:s17+$0x50]  }
0x1e8: {  	p1 =	slt.u32 s20, $0x4E;
	v4 =	vadd.f32 v7, v6;
	v6 =	vld [tilespmem:s17+$0xD0]  }
0x1e9: {  	v5 =	vld.idx.msk [tilespmem:v5+s3+$0x0], $0xffff  }
0x1ea: {  	v7 =	vadd.f32 v9, v8;
	v0 =	vld.idx.msk [tilespmem:v0+s3+$0x0], $0xffff;
	[tilespmem:s18+$0xFFFFFFB0] =	vst v4  }
0x1eb: {  	s18 =	sadd.s32 $0x100, s18;
	v4 =	vld [tilespmem:s17+$0xFFFFFF50]  }
0x1ec: {  	v1 =	vadd.f32 v2, v1;
	[tilespmem:s18+$0x0] =	vst v7;
	v7 =	vld [tilespmem:s17+$0xFFFFFFD0]  }
0x1ed: {  	v2 =	vld [tilespmem:s21+$0x20]  }
0x1ee: {  	v8 =	vld [tilespmem:s21+$0xA0];
	[tilespmem:s14+$0x70] =	vst v1  }
0x1ef: {  	v1 =	vld.idx.msk [tilespmem:v3+s3+$0x0], $0xffff  }
0x1f0: {  	v0 =	vadd.f32 v0, v5;
	v3 =	vld.idx.msk [tilespmem:v6+s3+$0x0], $0xffff  }
0x1f1: {  	v5 =	vld [tilespmem:s16+$0xFFFFFF70]  }
0x1f2: {  	[tilespmem:s18+$0xFFFFFF80] =	vst v0;
	v0 =	vld [tilespmem:s16+$0xFFFFFFF0]  }
0x1f3: {  	v6 =	vld [tilespmem:s21+$0xFFFFFF20]  }
0x1f4: {  	v9 =	vld [tilespmem:s21+$0xFFFFFFA0]  }
0x1f5: {  	v2 =	vld.idx.msk [tilespmem:v2+s3+$0x0], $0xffff  }
0x1f6: {  	v1 =	vadd.f32 v3, v1;
	v8 =	vld.idx.msk [tilespmem:v8+s3+$0x0], $0xffff  }
0x1f7: {  	v3 =	vld.idx.msk [tilespmem:v4+s3+$0x0], $0xffff  }
0x1f8: {  	v4 =	vld.idx.msk [tilespmem:v7+s3+$0x0], $0xffff;
	[tilespmem:s15+$0x40] =	vst v1  }
0x1f9: {  	v1 =	vld [tilespmem:s17+$0x60]  }
0x1fa: {  	v7 =	vld [tilespmem:s17+$0xE0]  }
0x1fb: {  	v6 =	vld.idx.msk [tilespmem:v6+s3+$0x0], $0xffff  }
0x1fc: {  	v2 =	vadd.f32 v8, v2;
	v9 =	vld.idx.msk [tilespmem:v9+s3+$0x0], $0xffff  }
0x1fd: {  	v5 =	vld.idx.msk [tilespmem:v5+s3+$0x0], $0xffff  }
0x1fe: {  	[tilespmem:s18+$0x10] =	vst v2;
	v2 =	vadd.f32 v4, v3;
	v0 =	vld.idx.msk [tilespmem:v0+s3+$0x0], $0xffff  }
0x1ff: {  	v3 =	vld [tilespmem:s21+$0x30]  }
0x200: {  	v4 =	vld [tilespmem:s21+$0xB0];
	[tilespmem:s15+$0xFFFFFFC0] =	vst v2  }
0x201: {  	v1 =	vld.idx.msk [tilespmem:v1+s3+$0x0], $0xffff  }
0x202: {  	v2 =	vadd.f32 v9, v6;
	v6 =	vld.idx.msk [tilespmem:v7+s3+$0x0], $0xffff  }
0x203: {  	v7 =	vld [tilespmem:s17+$0xFFFFFF60]  }
0x204: {  	v0 =	vadd.f32 v0, v5;
	[tilespmem:s18+$0xFFFFFF90] =	vst v2;
	v2 =	vld [tilespmem:s17+$0xFFFFFFE0]  }
0x205: {  	v5 =	vld [tilespmem:s21+$0xFFFFFF30]  }
0x206: {  	v8 =	vld [tilespmem:s21+$0xFFFFFFB0];
	[tilespmem:s14+$0xFFFFFFE0] =	vst v0  }
0x207: {  	v0 =	vld.idx.msk [tilespmem:v3+s3+$0x0], $0xffff  }
0x208: {  	v1 =	vadd.f32 v6, v1;
	v3 =	vld.idx.msk [tilespmem:v4+s3+$0x0], $0xffff  }
0x209: {  	s19 =	sadd.s32 $0x200, s19;
	v6 =	vld [tilespmem:s16+$0xFFFFFF80]  }
0x20a: {  	s22 =	sadd.s32 $0xFFFFFFE0, s19;
	[tilespmem:s15+$0x50] =	vst v1;
	v1 =	vld [tilespmem:s16+$0x0];
	s16 =	smov.u32 s17;
	s17 =	smov.u32 s21  }
0x20b: {  	s22 =	sor.u32 $0xE0, s22;
	v9 =	vld [tilespmem:s16+$0x70]  }
0x20c: {  	v10 =	vld [tilespmem:s22+$0x2780]  }
0x20d: {  	v11 =	vld.idx.msk [tilespmem:v5+s3+$0x0], $0xffff  }
0x20e: {  	v0 =	vadd.f32 v3, v0;
	v8 =	vld.idx.msk [tilespmem:v8+s3+$0x0], $0xffff  }
0x20f: {  	v7 =	vld.idx.msk [tilespmem:v7+s3+$0x0], $0xffff  }
0x210: {  	[tilespmem:s18+$0x20] =	vst v0;
	v12 =	vld.idx.msk [tilespmem:v2+s3+$0x0], $0xffff  }
0x211: {  	v4 =	vld [tilespmem:s21+$0x40]  }
0x212: {  	v5 =	vld [tilespmem:s21+$0xC0]  }
0x213: {  	v2 =	vld.idx.msk [tilespmem:v9+s3+$0x0], $0xffff  }
.Ltmp5:
0x214: {  	v8 =	vadd.f32 v8, v11;
	v3 =	vld.idx.msk [tilespmem:v10+s3+$0x0], $0xffff;
	(pc) =	sbr.rel @p1 .LBB2_3-.Ltmp5, $4  }
0x215: {  	v0 =	vld.idx.msk [tilespmem:v6+s3+$0x0], $0xffff  }
0x216: {  	[tilespmem:s18+$0xFFFFFFA0] =	vst v8;
	v8 =	vadd.f32 v12, v7;
	v1 =	vld.idx.msk [tilespmem:v1+s3+$0x0], $0xffff  }
0x217: {  	v6 =	vld [tilespmem:s21+$0xFFFFFF40]  }
0x218: {  	s21 =	sadd.s32 $0x200, s21;
	v7 =	vld [tilespmem:s17+$0xFFFFFFC0];
	[tilespmem:s15+$0xFFFFFFD0] =	vst v8  }
0x219: {  	_ =	sdelay $0x4  }
0x21a: {  	v4 =	vld.idx.msk [tilespmem:v4+s3+$0x0], $0xffff  }
0x21b: {  	v5 =	vld.idx.msk [tilespmem:v5+s3+$0x0], $0xffff  }
0x21c: {  	v6 =	vld.idx.msk [tilespmem:v6+s3+$0x0], $0xffff  }
0x21d: {  	v7 =	vld.idx.msk [tilespmem:v7+s3+$0x0], $0xffff;
	_ =	sdelay $0x2  }
0x21e: {  	v4 =	vadd.f32 v5, v4;
	_ =	sdelay $0x1  }
0x21f: {  	[tilespmem:s18+$0x30] =	vst v4;
	v40 =	vadd.f32 v7, v6  }
0x220: {  	v41 =	vld [tilespmem:s17+$0x50]  }
0x221: {  	v42 =	vld [tilespmem:s17+$0xD0];
	[tilespmem:s18+$0xFFFFFFB0] =	vst v40  }
0x222: {  	v4 =	vld [tilespmem:s17+$0xFFFFFF50]  }
0x223: {  	v43 =	vld [tilespmem:s17+$0xFFFFFFD0];
	_ =	sdelay $0x4  }
0x224: {  	v5 =	vld.idx.msk [tilespmem:v41+s3+$0x0], $0xffff  }
0x225: {  	v6 =	vld.idx.msk [tilespmem:v42+s3+$0x0], $0xffff  }
0x226: {  	v4 =	vld.idx.msk [tilespmem:v4+s3+$0x0], $0xffff  }
0x227: {  	v7 =	vld.idx.msk [tilespmem:v43+s3+$0x0], $0xffff;
	_ =	sdelay $0x2  }
0x228: {  	v5 =	vadd.f32 v6, v5;
	_ =	sdelay $0x1  }
0x229: {  	[tilespmem:s18+$0x40] =	vst v5;
	v4 =	vadd.f32 v7, v4  }
0x22a: {  	v5 =	vld [tilespmem:s17+$0x60]  }
0x22b: {  	v44 =	vld [tilespmem:s17+$0xE0];
	[tilespmem:s18+$0xFFFFFFC0] =	vst v4  }
0x22c: {  	v4 =	vld [tilespmem:s17+$0xFFFFFF60]  }
0x22d: {  	v45 =	vld [tilespmem:s17+$0xFFFFFFE0];
	_ =	sdelay $0x4  }
0x22e: {  	v5 =	vld.idx.msk [tilespmem:v5+s3+$0x0], $0xffff  }
0x22f: {  	v6 =	vld.idx.msk [tilespmem:v44+s3+$0x0], $0xffff  }
0x230: {  	v4 =	vld.idx.msk [tilespmem:v4+s3+$0x0], $0xffff  }
0x231: {  	v7 =	vld.idx.msk [tilespmem:v45+s3+$0x0], $0xffff;
	_ =	sdelay $0x2  }
0x232: {  	v5 =	vadd.f32 v6, v5  }
0x233: {  	s20 =	sadd.s32 $0x200, s19;
	v8 =	vld [tilespmem:s16+$0xFFFFFFF0]  }
0x234: {  	v46 =	vld [tilespmem:s16+$0xFFFFFF70];
	s21 =	sadd.s32 $0xFFFFFFE0, s20;
	[tilespmem:s18+$0x50] =	vst v5;
	v4 =	vadd.f32 v7, v4  }
0x235: {  	s21 =	sor.u32 $0xE0, s21;
	v5 =	vld [tilespmem:s17+$0x70]  }
0x236: {  	v47 =	vld [tilespmem:s21+$0x2780];
	[tilespmem:s18+$0xFFFFFFD0] =	vst v4  }
0x237: {  	v4 =	vld [tilespmem:s17+$0xFFFFFF70]  }
0x238: {  	v9 =	vld [tilespmem:s17+$0xFFFFFFF0];
	_ =	sdelay $0x2  }
0x239: {  	v8 =	vld.idx.msk [tilespmem:v8+s3+$0x0], $0xffff  }
0x23a: {  	v6 =	vld.idx.msk [tilespmem:v46+s3+$0x0], $0xffff  }
0x23b: {  	v5 =	vld.idx.msk [tilespmem:v5+s3+$0x0], $0xffff  }
0x23c: {  	v7 =	vld.idx.msk [tilespmem:v47+s3+$0x0], $0xffff  }
0x23d: {  	v2 =	vadd.f32 v3, v2;
	v48 =	vld.idx.msk [tilespmem:v4+s3+$0x0], $0xffff  }
0x23e: {  	v49 =	vld.idx.msk [tilespmem:v9+s3+$0x0], $0xffff  }
0x23f: {  	[tilespmem:s15+$0x60] =	vst v2;
	v50 =	vadd.f32 v8, v6  }
0x240: {  	s30 =	sor.u32 $0xF0, s19;
	v51 =	vld [tilespmem:s16+$0x80]  }
0x241: {  	v52 =	vld [tilespmem:s30+$0x2780];
	[tilespmem:s15+$0xFFFFFFE0] =	vst v50;
	v53 =	vadd.f32 v7, v5  }
0x242: {  	v54 =	vld [tilespmem:s16+$0xFFFFFF80]  }
0x243: {  	v55 =	vld [tilespmem:s16+$0x0];
	[tilespmem:s18+$0x60] =	vst v53;
	v56 =	vadd.f32 v49, v48  }
0x244: {  	s31 =	sor.u32 $0xF0, s20;
	v57 =	vld [tilespmem:s17+$0x80]  }
0x245: {  	v58 =	vld [tilespmem:s31+$0x2780];
	[tilespmem:s18+$0xFFFFFFE0] =	vst v56  }
0x246: {  	v2 =	vld [tilespmem:s17+$0xFFFFFF80]  }
0x247: {  	v59 =	vld [tilespmem:s17+$0x0]  }
0x248: {  	v6 =	vld.idx.msk [tilespmem:v51+s3+$0x0], $0xffff  }
0x249: {  	v8 =	vld.idx.msk [tilespmem:v52+s3+$0x0], $0xffff  }
0x24a: {  	v5 =	vld.idx.msk [tilespmem:v54+s3+$0x0], $0xffff  }
0x24b: {  	v7 =	vld.idx.msk [tilespmem:v55+s3+$0x0], $0xffff  }
0x24c: {  	v3 =	vld.idx.msk [tilespmem:v57+s3+$0x0], $0xffff  }
0x24d: {  	v4 =	vld.idx.msk [tilespmem:v58+s3+$0x0], $0xffff  }
0x24e: {  	v2 =	vld.idx.msk [tilespmem:v2+s3+$0x0], $0xffff  }
0x24f: {  	v9 =	vld.idx.msk [tilespmem:v59+s3+$0x0], $0xffff  }
0x250: {  	v0 =	vadd.f32 v1, v0  }
0x251: {  	v60 =	vadd.f32 v8, v6  }
0x252: {  	[tilespmem:s14+$0xFFFFFFF0] =	vst v0;
	v61 =	vadd.f32 v7, v5  }
0x253: {  	[tilespmem:s15+$0x70] =	vst v60;
	v62 =	vadd.f32 v4, v3  }
0x254: {  	[tilespmem:s15+$0xFFFFFFF0] =	vst v61;
	v63 =	vadd.f32 v9, v2  }
0x255: {  	[tilespmem:s18+$0x70] =	vst v62  }
.Ltmp6:
0x256: {  	[tilespmem:s18+$0xFFFFFFF0] =	vst v63;
	(pc) =	sbr.rel .LBB2_8-.Ltmp6, $4  }
0x257: {  	[hbm4b:s5+s3] =	stream.linear.scatter [tilespmem:s12], [sflag:$0x2], $0x2800, $0x38;
	[tilespmem:$0x9F80] =	vst v63  }
0x258: {  	_ =	swait.ge [sflag:s10], $0x2800  }
0x259: {  	[sflag:s10] =	ssyncset.done $0x0  }
0x25a: {  	[sflag:s10] =	ssyncadd.s32 $0xFFFFD800  }
.LBB2_9:
0x25b: {  	_ =	sfence.sel $0x180000  }
0x25c: {  	[bflag:$0x0] =	sbarrier.arrive $0xFFFF  }
0x25d: {  	p0 =	sne.s32 s0, $0x0;
	_ =	strace $0x90000047  }
0x25e: {  	s0 =	sadd.s32 @!p0 $0x100000, s2;
	[bflag:$0x2] =	sbarrier.arrive $0xFFFF  }
0x25f: {  	[sflag:s0] =	ssyncadd.tile.s32 @!p0 $0x1;
	_ =	shalt  }
.Lfunc_end2:
_tile_overlayer_lowered:
.L_overlay_start_2:
0x260: {  	(tag) =	ssettag $0x2  }
0x261: {  	s0 =	rddreg [dreg:$0x0];
	s2 =	stileid.u32  }
0x262: {  	s1 =	rddreg [dreg:$0x1];
	p0 =	sne.s32 s2, $0x0  }
0x263: {  	s3 =	rddreg [dreg:$0x2];
	[bflag:$0x3] =	sbarrier.arrive $0xFFFF;
	s2 =	simm.s32 @!p0 $0x1C02  }
0x264: {  	[timem:s3], [sflag:s2] =	dma.local @!p0 [hbm:s0], s1  }
0x265: {  	s0 =	simm.s32 @!p0 $0x2  }
0x266: {  	_ =	swait.ge @!p0 [sflag:s0], s1  }
0x267: {  	s1 =	ssub.s32 @!p0 $0x0, s1;
	[sflag:s0] =	ssyncset.done @!p0 $0x0  }
0x268: {  	[sflag:s0] =	ssyncadd.s32 @!p0 s1  }
0x269: {  	[bflag:$0x3] =	sbarrier.arrive $0xFFFF  }
0x26a: {  	_ =	shalt  }

</sc_bundles>
